<compile_context>
chip_gen: v7x
topology: tpu7x:2x2x1
jax: 0.10.2.dev20260603
libtpu: 0.0.44.dev20260713+nightly
codegen_flags: <defaults>
</compile_context>

<pallas_src>
import functools

import jax
import jax.numpy as jnp
from jax import lax
from jax.experimental import pallas as pl
from jax.experimental.pallas import tpu as pltpu
from jax.experimental.pallas import tpu_sc as plsc

N = 10000
NP = 10240
E = 320000
D = 128
H = 128
C = 40
CP = 48
XW = 160
B = 64

NC = 2
NS = 16
NW = NC * NS
EPT = E // NW
K = 125
NCHUNK = EPT // K
IDXB = 16
NPHASE = NCHUNK // IDXB
RPT = NP // NS

R = 640
G = NP // R

_MESH = plsc.VectorSubcoreMesh(core_axis_name="c", subcore_axis_name="s",
                               num_cores=NC, num_subcores=NS)


def _sc_agg_impl(x_hbm, src_hbm, dst_hbm, zrow_hbm, agg_out,
                 src_v, dst_v, rows_v, agg_sh, x_sh, gsem, ssem):
    c = lax.axis_index("c")
    s = lax.axis_index("s")
    wid = c * NS + s
    r0 = s * RPT
    pltpu.sync_copy(zrow_hbm, agg_sh.at[pl.ds(r0, RPT)])
    pltpu.sync_copy(x_hbm.at[pl.ds(r0, RPT)], x_sh.at[pl.ds(r0, RPT)])
    plsc.subcore_barrier()

    def gather_start(j, slot):
        pltpu.async_copy(x_sh.at[src_v.at[j]], rows_v.at[slot], gsem)

    def gather_wait(slot):
        pltpu.make_async_copy(x_hbm.at[pl.ds(0, K)], rows_v.at[slot],
                              gsem).wait()

    def scatter_start(j, slot):
        pltpu.async_copy(rows_v.at[slot], agg_sh.at[dst_v.at[j]], ssem,
                         add=True)

    def scatter_wait(slot):
        pltpu.make_async_copy(rows_v.at[slot], agg_sh.at[pl.ds(0, K)],
                              ssem).wait()

    def phase(ph, carry):
        pltpu.sync_copy(src_hbm.at[wid, pl.ds(ph * IDXB, IDXB)], src_v)
        pltpu.sync_copy(dst_hbm.at[wid, pl.ds(ph * IDXB, IDXB)], dst_v)
        gather_start(0, 0)
        gather_wait(0)
        scatter_start(0, 0)
        gather_start(1, 1)

        def step(j, c2):
            b = j % 2
            nb = 1 - b
            gather_wait(b)
            scatter_wait(nb)
            scatter_start(j, b)
            gather_start(j + 1, nb)
            return c2

        lax.fori_loop(1, IDXB - 1, step, 0)
        last = (IDXB - 1) % 2
        gather_wait(last)
        scatter_wait(1 - last)
        scatter_start(IDXB - 1, last)
        scatter_wait(last)
        return carry

    lax.fori_loop(0, NPHASE, phase, 0)

    plsc.subcore_barrier()
    pltpu.sync_copy(agg_sh.at[pl.ds(r0, RPT)], agg_out.at[c, pl.ds(r0, RPT)])


def _sc_aggregate(x, src3, dst3, width):
    dt = x.dtype
    zrow = jnp.zeros((RPT, width), dt)
    return pl.kernel(
        _sc_agg_impl,
        out_type=jax.ShapeDtypeStruct((NC, NP, width), dt),
        mesh=_MESH,
        compiler_params=pltpu.CompilerParams(use_tc_tiling_on_sc=False),
        scratch_types=[
            pltpu.VMEM((IDXB, K), jnp.int32),
            pltpu.VMEM((IDXB, K), jnp.int32),
            pltpu.VMEM((2, K, width), dt),
            pltpu.VMEM_SHARED((NP, width), dt),
            pltpu.VMEM_SHARED((NP, width), dt),
            pltpu.SemaphoreType.DMA,
            pltpu.SemaphoreType.DMA,
        ],
    )(x, src3, dst3, zrow)


def _tc1a_body(xb, w1r, b1r, xq_out):
    xq_out[...] = jnp.dot(xb[...], w1r[...],
                          preferred_element_type=jnp.float32) + b1r[...]


def _tc1a(xp, w1rt, b1r):
    row = lambda i: (i, 0)
    full = lambda i: (0, 0)
    return pl.pallas_call(
        _tc1a_body,
        grid=(G,),
        in_specs=[
            pl.BlockSpec((R, D), row),
            pl.BlockSpec((D, H), full),
            pl.BlockSpec((1, H), full),
        ],
        out_specs=pl.BlockSpec((R, H), row),
        out_shape=jax.ShapeDtypeStruct((NP, H), jnp.float32),
    )(xp, w1rt, b1r)


def _tc1_body(ap, xq, w1l, w2l, w2r, b2r, p_out, q_out, inv_out):
    a0 = ap[0].astype(jnp.float32)
    a1 = ap[1].astype(jnp.float32)
    deg = a0[:, D:D + 1] + a1[:, D:D + 1]
    inv = 1.0 / jnp.maximum(deg, 1.0)
    mean = (a0[:, :D] + a1[:, :D]) * inv
    h = jnp.dot(mean, w1l[...], preferred_element_type=jnp.float32)
    h = jnp.maximum(h + xq[...], 0.0)
    p_out[...] = jnp.dot(h, w2l[...], preferred_element_type=jnp.float32)
    q_out[...] = jnp.dot(h, w2r[...], preferred_element_type=jnp.float32) + b2r[...]
    inv_out[...] = jnp.broadcast_to(inv, inv_out.shape)


def _tc1(ap, xq, w1lt, w2lt, w2rt, b2r):
    row = lambda i: (i, 0)
    full = lambda i: (0, 0)
    return pl.pallas_call(
        _tc1_body,
        grid=(G,),
        in_specs=[
            pl.BlockSpec((NC, R, XW), lambda i: (0, i, 0)),
            pl.BlockSpec((R, H), row),
            pl.BlockSpec((D, H), full),
            pl.BlockSpec((H, CP), full),
            pl.BlockSpec((H, CP), full),
            pl.BlockSpec((1, CP), full),
        ],
        out_specs=[
            pl.BlockSpec((R, CP), row),
            pl.BlockSpec((R, CP), row),
            pl.BlockSpec((R, 16), row),
        ],
        out_shape=[
            jax.ShapeDtypeStruct((NP, CP), jnp.float32),
            jax.ShapeDtypeStruct((NP, CP), jnp.float32),
            jax.ShapeDtypeStruct((NP, 16), jnp.float32),
        ],
    )(ap, xq, w1lt, w2lt, w2rt, b2r)


def _tc2_body(gp, qb, invb, b3, out_ref, acc, cnt):
    i = pl.program_id(0)

    @pl.when(i == 0)
    def _():
        acc[...] = jnp.zeros_like(acc)
        cnt[...] = jnp.zeros_like(cnt)

    h2 = (gp[0] + gp[1]) * invb[:, 0:1] + qb[...]
    brow = b3[0]
    m = (lax.broadcasted_iota(jnp.int32, (B, R), 0) == brow).astype(jnp.float32)
    acc[...] += jnp.dot(m, h2, preferred_element_type=jnp.float32)
    cnt[:, 0:1] += jnp.sum(m, axis=1, keepdims=True)

    pooled = acc[...] / jnp.maximum(cnt[:, 0:1], 1.0)
    col = lax.broadcasted_iota(jnp.int32, (B, CP), 1)
    xm = jnp.where(col < C, pooled, -jnp.inf)
    mx = jnp.max(xm, axis=1, keepdims=True)
    lse = jnp.log(jnp.sum(jnp.exp(xm - mx), axis=1, keepdims=True))
    out_ref[...] = xm - mx - lse


def _tc2(gp, q, inv, batch3):
    row = lambda i: (i, 0)
    return pl.pallas_call(
        _tc2_body,
        grid=(G,),
        in_specs=[
            pl.BlockSpec((NC, R, CP), lambda i: (0, i, 0)),
            pl.BlockSpec((R, CP), row),
            pl.BlockSpec((R, 16), row),
            pl.BlockSpec((1, 1, R), lambda i: (i, 0, 0)),
        ],
        out_specs=pl.BlockSpec((B, CP), lambda i: (0, 0)),
        out_shape=jax.ShapeDtypeStruct((B, CP), jnp.float32),
        scratch_shapes=[
            pltpu.VMEM((B, CP), jnp.float32),
            pltpu.VMEM((B, 128), jnp.float32),
        ],
    )(gp, q, inv, batch3)


def kernel(x, edge_index, batch, W1_l, W1_r, b1, W2_l, W2_r, b2):
    xp = jnp.pad(x, ((0, NP - N), (0, 0)))
    batch_pad = jnp.pad(batch, (0, NP - N), constant_values=B)
    src3 = edge_index[0].reshape(NW, NCHUNK, K)
    dst3 = edge_index[1].reshape(NW, NCHUNK, K)

    w1lt = W1_l.T
    w1rt = W1_r.T
    b1r = b1.reshape(1, H)
    w2lt = jnp.pad(W2_l.T, ((0, 0), (0, CP - C)))
    w2rt = jnp.pad(W2_r.T, ((0, 0), (0, CP - C)))
    b2r = jnp.pad(b2, (0, CP - C)).reshape(1, CP)

    xq = _tc1a(xp, w1rt, b1r)
    xe = jnp.concatenate(
        [x, jnp.ones((N, 16), jnp.float32), jnp.zeros((N, 16), jnp.float32)],
        axis=1)
    xe = jnp.pad(xe, ((0, NP - N), (0, 0))).astype(jnp.bfloat16)
    agg_part = _sc_aggregate(xe, src3, dst3, XW)
    p, q, inv = _tc1(agg_part, xq, w1lt, w2lt, w2rt, b2r)

    agg2_part = _sc_aggregate(p, src3, dst3, CP)

    batch3 = batch_pad.reshape(G, 1, R)
    out = _tc2(agg2_part, q, inv, batch3)
    return out[:, :C]

# --- scband reference (transcript-rebuilt; emitter-appended) ---
"""Pipeline reference for scband-gcn-64768106823755 (READ-ONLY COPY).

The authoritative reference and input builder live on the scoring server;
editing this copy changes nothing except your own understanding.
"""

import jax, jax.numpy as jnp
import numpy as np

N = 10000
E = 320000
D = 128
H = 128
C = 40
B = 64

def setup_inputs(seed: int = 0) -> dict:
    key = jax.random.key(seed)
    ks = jax.random.split(key, 10)
    x = jax.random.normal(ks[0], (N, D), dtype=jnp.float32)
    edge_index = jax.random.randint(ks[1], (2, E), 0, N, dtype=jnp.int32)
    batch = jnp.sort(jax.random.randint(ks[2], (N,), 0, B, dtype=jnp.int32))
    W1_l = jax.random.normal(ks[3], (H, D), dtype=jnp.float32) * (1.0 / np.sqrt(D))
    W1_r = jax.random.normal(ks[4], (H, D), dtype=jnp.float32) * (1.0 / np.sqrt(D))
    b1 = jnp.zeros((H,), dtype=jnp.float32)
    W2_l = jax.random.normal(ks[5], (C, H), dtype=jnp.float32) * (1.0 / np.sqrt(H))
    W2_r = jax.random.normal(ks[6], (C, H), dtype=jnp.float32) * (1.0 / np.sqrt(H))
    b2 = jnp.zeros((C,), dtype=jnp.float32)
    return {"x": x, "edge_index": edge_index, "batch": batch,
            "W1_l": W1_l, "W1_r": W1_r, "b1": b1,
            "W2_l": W2_l, "W2_r": W2_r, "b2": b2}

def _sage_conv(x_in, src, dst, inv_deg, W_l, W_r, b):
    # PyG SAGEConv (mean aggregation): out = lin_l(mean_j x_j) + lin_r(x_i)
    agg = jax.ops.segment_sum(x_in[src], dst, num_segments=N)
    mean_agg = agg * inv_deg[:, None]
    return mean_agg @ W_l.T + x_in @ W_r.T + b

def reference(x, edge_index, batch, W1_l, W1_r, b1, W2_l, W2_r, b2):
    src = edge_index[0]
    dst = edge_index[1]
    deg = jax.ops.segment_sum(jnp.ones((E,), dtype=x.dtype), dst, num_segments=N)
    inv_deg = 1.0 / jnp.clip(deg, 1.0)
    # conv1 + relu (ARGS['conv1_activation'] = True)
    h = _sage_conv(x, src, dst, inv_deg, W1_l, W1_r, b1)
    h = jax.nn.relu(h)
    # conv2 (ARGS['conv2_switch'] = True, conv2_activation = False)
    h2 = _sage_conv(h, src, dst, inv_deg, W2_l, W2_r, b2)
    # global_mean_pool over batch ids
    pooled_sum = jax.ops.segment_sum(h2, batch, num_segments=B)
    counts = jax.ops.segment_sum(jnp.ones((N,), dtype=x.dtype), batch, num_segments=B)
    pooled = pooled_sum / jnp.clip(counts, 1.0)[:, None]
    return jax.nn.log_softmax(pooled, axis=1)

if __name__ == "__main__":
    import jax
    _d = setup_inputs()
    print(jax.jit(kernel)(*tuple(_d.values())))

</pallas_src>

<mosaic_0001>
#map = affine_map<(d0, d1) -> (0, 0)>
#map1 = affine_map<(d0, d1) -> (0, 0, 0)>
module attributes {stable_mosaic.version = 14 : i64} {
  func.func @_sc_agg_impl(%arg0: i32, %arg1: i32, %arg2: memref<10240x160xbf16, #tpu.memory_space<hbm>>, %arg3: memref<32x80x125xi32, #tpu.memory_space<hbm>>, %arg4: memref<32x80x125xi32, #tpu.memory_space<hbm>>, %arg5: memref<640x160xbf16, #tpu.memory_space<hbm>>, %arg6: memref<2x10240x160xbf16, #tpu.memory_space<hbm>>, %arg7: memref<16x125xi32, #tpu.memory_space<vmem>>, %arg8: memref<16x125xi32, #tpu.memory_space<vmem>>, %arg9: memref<2x125x160xbf16, #tpu.memory_space<vmem>>, %arg10: memref<10240x160xbf16, #tpu.memory_space<vmem_shared>>, %arg11: memref<10240x160xbf16, #tpu.memory_space<vmem_shared>>, %arg12: memref<!tpu.dma_semaphore, #tpu.memory_space<semaphore_mem>>, %arg13: memref<!tpu.dma_semaphore, #tpu.memory_space<semaphore_mem>>) attributes {dimension_semantics = [#tpu.dimension_semantics<core_parallel>, #tpu.dimension_semantics<subcore_parallel>], iteration_bounds = array<i64: 2, 16>, scalar_prefetch = 0 : i64, scratch_operands = 7 : i64, tpu.core_type = #tpu.core_type<sc_vector_subcore>, window_params = [{transform_indices = #map}, {transform_indices = #map1}, {transform_indices = #map1}, {transform_indices = #map}, {transform_indices = #map1}]} {
    %mul3A = arith.constant 16 : i32
    %mul3A_0 = arith.muli %arg0, %mul3A : i32
    %add3A = arith.addi %mul3A_0, %arg1 : i32
    %mul3A_1 = arith.constant 640 : i32
    %mul3A_2 = arith.muli %arg1, %mul3A_1 : i32
    "tpu.region"() ({
      %run_scoped3A = tpu.sem_alloc : memref<!tpu.dma_semaphore, #tpu.memory_space<semaphore_mem>>
      %dma_start3A = arith.constant 0 : i32
      %dma_start3A_9 = tpu.memref_slice %arg10[%mul3A_2, %dma_start3A] : memref<10240x160xbf16, #tpu.memory_space<vmem_shared>> -> memref<640x160xbf16, #tpu.memory_space<vmem_shared>>
      tpu.enqueue_dma source(%arg5 : memref<640x160xbf16, #tpu.memory_space<hbm>>) target(%dma_start3A_9 : memref<640x160xbf16, #tpu.memory_space<vmem_shared>>) target_semaphore(%run_scoped3A : memref<!tpu.dma_semaphore, #tpu.memory_space<semaphore_mem>>)
      %dma_wait3A = arith.constant 0 : i32
      %dma_wait3A_10 = tpu.memref_slice %arg10[%mul3A_2, %dma_wait3A] : memref<10240x160xbf16, #tpu.memory_space<vmem_shared>> -> memref<640x160xbf16, #tpu.memory_space<vmem_shared>>
      tpu.wait_dma2 semaphore(%run_scoped3A : memref<!tpu.dma_semaphore, #tpu.memory_space<semaphore_mem>>) src(%arg5 : memref<640x160xbf16, #tpu.memory_space<hbm>>) dst(%dma_wait3A_10 : memref<640x160xbf16, #tpu.memory_space<vmem_shared>>)
      tpu.yield
    }) : () -> ()
    "tpu.region"() ({
      %run_scoped3A = tpu.sem_alloc : memref<!tpu.dma_semaphore, #tpu.memory_space<semaphore_mem>>
      %dma_start3A = arith.constant 0 : i32
      %dma_start3A_9 = tpu.memref_slice %arg11[%mul3A_2, %dma_start3A] : memref<10240x160xbf16, #tpu.memory_space<vmem_shared>> -> memref<640x160xbf16, #tpu.memory_space<vmem_shared>>
      %dma_start3A_10 = arith.constant 0 : i32
      %dma_start3A_11 = tpu.memref_slice %arg2[%mul3A_2, %dma_start3A_10] : memref<10240x160xbf16, #tpu.memory_space<hbm>> -> memref<640x160xbf16, #tpu.memory_space<hbm>>
      tpu.enqueue_dma source(%dma_start3A_11 : memref<640x160xbf16, #tpu.memory_space<hbm>>) target(%dma_start3A_9 : memref<640x160xbf16, #tpu.memory_space<vmem_shared>>) target_semaphore(%run_scoped3A : memref<!tpu.dma_semaphore, #tpu.memory_space<semaphore_mem>>)
      %dma_wait3A = arith.constant 0 : i32
      %dma_wait3A_12 = tpu.memref_slice %arg11[%mul3A_2, %dma_wait3A] : memref<10240x160xbf16, #tpu.memory_space<vmem_shared>> -> memref<640x160xbf16, #tpu.memory_space<vmem_shared>>
      %dma_wait3A_13 = arith.constant 0 : i32
      %dma_wait3A_14 = tpu.memref_slice %arg2[%mul3A_2, %dma_wait3A_13] : memref<10240x160xbf16, #tpu.memory_space<hbm>> -> memref<640x160xbf16, #tpu.memory_space<hbm>>
      tpu.wait_dma2 semaphore(%run_scoped3A : memref<!tpu.dma_semaphore, #tpu.memory_space<semaphore_mem>>) src(%dma_wait3A_14 : memref<640x160xbf16, #tpu.memory_space<hbm>>) dst(%dma_wait3A_12 : memref<640x160xbf16, #tpu.memory_space<vmem_shared>>)
      tpu.yield
    }) : () -> ()
    %barrier3A = arith.constant 0 : index
    tpu.barrier barrier_id(%barrier3A)
    %scan3A = arith.constant 0 : i32
    %scan3A_3 = arith.constant 0 : i32
    %scan3A_4 = arith.constant 5 : i32
    %scan3A_5 = arith.addi %scan3A_3, %scan3A_4 : i32
    %scan3A_6 = arith.constant 1 : i32
    scf.for %scan3A_9 = %scan3A_3 to %scan3A_5 step %scan3A_6  : i32 {
      %mul3A_10 = arith.constant 16 : i32
      %mul3A_11 = arith.muli %scan3A_9, %mul3A_10 : i32
      "tpu.region"() ({
        %run_scoped3A = tpu.sem_alloc : memref<!tpu.dma_semaphore, #tpu.memory_space<semaphore_mem>>
        %dma_start3A_126 = arith.constant 0 : i32
        %dma_start3A_127 = tpu.memref_slice %arg3[%add3A, %mul3A_11, %dma_start3A_126] : memref<32x80x125xi32, #tpu.memory_space<hbm>> -> memref<1x16x125xi32, #tpu.memory_space<hbm>>
        %dma_start3A_128 = tpu.memref_squeeze %dma_start3A_127 : memref<1x16x125xi32, #tpu.memory_space<hbm>> -> memref<16x125xi32, #tpu.memory_space<hbm>>
        %dma_start3A_129 = arith.constant 0 : i32
        %dma_start3A_130 = tpu.memref_slice %arg3[%add3A, %mul3A_11, %dma_start3A_129] : memref<32x80x125xi32, #tpu.memory_space<hbm>> -> memref<1x16x125xi32, #tpu.memory_space<hbm>>
        %dma_start3A_131 = tpu.memref_squeeze %dma_start3A_130 : memref<1x16x125xi32, #tpu.memory_space<hbm>> -> memref<16x125xi32, #tpu.memory_space<hbm>>
        tpu.enqueue_dma source(%dma_start3A_131 : memref<16x125xi32, #tpu.memory_space<hbm>>) target(%arg7 : memref<16x125xi32, #tpu.memory_space<vmem>>) target_semaphore(%run_scoped3A : memref<!tpu.dma_semaphore, #tpu.memory_space<semaphore_mem>>)
        %dma_wait3A_132 = arith.constant 0 : i32
        %dma_wait3A_133 = tpu.memref_slice %arg3[%add3A, %mul3A_11, %dma_wait3A_132] : memref<32x80x125xi32, #tpu.memory_space<hbm>> -> memref<1x16x125xi32, #tpu.memory_space<hbm>>
        %dma_wait3A_134 = tpu.memref_squeeze %dma_wait3A_133 : memref<1x16x125xi32, #tpu.memory_space<hbm>> -> memref<16x125xi32, #tpu.memory_space<hbm>>
        %dma_wait3A_135 = arith.constant 0 : i32
        %dma_wait3A_136 = tpu.memref_slice %arg3[%add3A, %mul3A_11, %dma_wait3A_135] : memref<32x80x125xi32, #tpu.memory_space<hbm>> -> memref<1x16x125xi32, #tpu.memory_space<hbm>>
        %dma_wait3A_137 = tpu.memref_squeeze %dma_wait3A_136 : memref<1x16x125xi32, #tpu.memory_space<hbm>> -> memref<16x125xi32, #tpu.memory_space<hbm>>
        tpu.wait_dma2 semaphore(%run_scoped3A : memref<!tpu.dma_semaphore, #tpu.memory_space<semaphore_mem>>) src(%dma_wait3A_137 : memref<16x125xi32, #tpu.memory_space<hbm>>) dst(%arg7 : memref<16x125xi32, #tpu.memory_space<vmem>>)
        tpu.yield
      }) : () -> ()
      %mul3A_12 = arith.constant 16 : i32
      %mul3A_13 = arith.muli %scan3A_9, %mul3A_12 : i32
      "tpu.region"() ({
        %run_scoped3A = tpu.sem_alloc : memref<!tpu.dma_semaphore, #tpu.memory_space<semaphore_mem>>
        %dma_start3A_126 = arith.constant 0 : i32
        %dma_start3A_127 = tpu.memref_slice %arg4[%add3A, %mul3A_13, %dma_start3A_126] : memref<32x80x125xi32, #tpu.memory_space<hbm>> -> memref<1x16x125xi32, #tpu.memory_space<hbm>>
        %dma_start3A_128 = tpu.memref_squeeze %dma_start3A_127 : memref<1x16x125xi32, #tpu.memory_space<hbm>> -> memref<16x125xi32, #tpu.memory_space<hbm>>
        %dma_start3A_129 = arith.constant 0 : i32
        %dma_start3A_130 = tpu.memref_slice %arg4[%add3A, %mul3A_13, %dma_start3A_129] : memref<32x80x125xi32, #tpu.memory_space<hbm>> -> memref<1x16x125xi32, #tpu.memory_space<hbm>>
        %dma_start3A_131 = tpu.memref_squeeze %dma_start3A_130 : memref<1x16x125xi32, #tpu.memory_space<hbm>> -> memref<16x125xi32, #tpu.memory_space<hbm>>
        tpu.enqueue_dma source(%dma_start3A_131 : memref<16x125xi32, #tpu.memory_space<hbm>>) target(%arg8 : memref<16x125xi32, #tpu.memory_space<vmem>>) target_semaphore(%run_scoped3A : memref<!tpu.dma_semaphore, #tpu.memory_space<semaphore_mem>>)
        %dma_wait3A_132 = arith.constant 0 : i32
        %dma_wait3A_133 = tpu.memref_slice %arg4[%add3A, %mul3A_13, %dma_wait3A_132] : memref<32x80x125xi32, #tpu.memory_space<hbm>> -> memref<1x16x125xi32, #tpu.memory_space<hbm>>
        %dma_wait3A_134 = tpu.memref_squeeze %dma_wait3A_133 : memref<1x16x125xi32, #tpu.memory_space<hbm>> -> memref<16x125xi32, #tpu.memory_space<hbm>>
        %dma_wait3A_135 = arith.constant 0 : i32
        %dma_wait3A_136 = tpu.memref_slice %arg4[%add3A, %mul3A_13, %dma_wait3A_135] : memref<32x80x125xi32, #tpu.memory_space<hbm>> -> memref<1x16x125xi32, #tpu.memory_space<hbm>>
        %dma_wait3A_137 = tpu.memref_squeeze %dma_wait3A_136 : memref<1x16x125xi32, #tpu.memory_space<hbm>> -> memref<16x125xi32, #tpu.memory_space<hbm>>
        tpu.wait_dma2 semaphore(%run_scoped3A : memref<!tpu.dma_semaphore, #tpu.memory_space<semaphore_mem>>) src(%dma_wait3A_137 : memref<16x125xi32, #tpu.memory_space<hbm>>) dst(%arg8 : memref<16x125xi32, #tpu.memory_space<vmem>>)
        tpu.yield
      }) : () -> ()
      %dma_start3A = arith.constant 0 : i32
      %dma_start3A_14 = arith.constant 0 : i32
      %dma_start3A_15 = arith.constant 0 : i32
      %dma_start3A_16 = arith.constant 0 : i32
      %dma_start3A_17 = tpu.memref_slice %arg9[%dma_start3A_14, %dma_start3A_15, %dma_start3A_16] : memref<2x125x160xbf16, #tpu.memory_space<vmem>> -> memref<1x125x160xbf16, #tpu.memory_space<vmem>>
      %dma_start3A_18 = tpu.memref_squeeze %dma_start3A_17 : memref<1x125x160xbf16, #tpu.memory_space<vmem>> -> memref<125x160xbf16, #tpu.memory_space<vmem>>
      %dma_start3A_19 = arith.constant 0 : i32
      %dma_start3A_20 = tpu.memref_slice %arg7[%dma_start3A, %dma_start3A_19] : memref<16x125xi32, #tpu.memory_space<vmem>> -> memref<1x125xi32, #tpu.memory_space<vmem>>
      %dma_start3A_21 = tpu.memref_squeeze %dma_start3A_20 : memref<1x125xi32, #tpu.memory_space<vmem>> -> memref<125xi32, #tpu.memory_space<vmem>>
      %dma_start3A_22 = arith.constant 0 : i32
      %dma_start3A_23 = arith.constant 0 : i32
      %dma_start3A_24 = tpu.memref_slice %arg11[%dma_start3A_22, %dma_start3A_23] : memref<10240x160xbf16, #tpu.memory_space<vmem_shared>> -> memref<10240x160xbf16, #tpu.memory_space<vmem_shared>>
      tpu.enqueue_indirect_dma source(%dma_start3A_24 : memref<10240x160xbf16, #tpu.memory_space<vmem_shared>>) target(%dma_start3A_18 : memref<125x160xbf16, #tpu.memory_space<vmem>>) offsets(%dma_start3A_21 : memref<125xi32, #tpu.memory_space<vmem>>) semaphore(%arg12 : memref<!tpu.dma_semaphore, #tpu.memory_space<semaphore_mem>>)
      %dma_wait3A = arith.constant 0 : i32
      %dma_wait3A_25 = arith.constant 0 : i32
      %dma_wait3A_26 = arith.constant 0 : i32
      %dma_wait3A_27 = tpu.memref_slice %arg9[%dma_wait3A, %dma_wait3A_25, %dma_wait3A_26] : memref<2x125x160xbf16, #tpu.memory_space<vmem>> -> memref<1x125x160xbf16, #tpu.memory_space<vmem>>
      %dma_wait3A_28 = tpu.memref_squeeze %dma_wait3A_27 : memref<1x125x160xbf16, #tpu.memory_space<vmem>> -> memref<125x160xbf16, #tpu.memory_space<vmem>>
      %dma_wait3A_29 = arith.constant 0 : i32
      %dma_wait3A_30 = arith.constant 0 : i32
      %dma_wait3A_31 = tpu.memref_slice %arg2[%dma_wait3A_29, %dma_wait3A_30] : memref<10240x160xbf16, #tpu.memory_space<hbm>> -> memref<125x160xbf16, #tpu.memory_space<hbm>>
      %dma_wait3A_32 = arith.constant 0 : i32
      %dma_wait3A_33 = arith.constant 0 : i32
      %dma_wait3A_34 = tpu.memref_slice %arg9[%dma_wait3A, %dma_wait3A_32, %dma_wait3A_33] : memref<2x125x160xbf16, #tpu.memory_space<vmem>> -> memref<1x125x160xbf16, #tpu.memory_space<vmem>>
      %dma_wait3A_35 = tpu.memref_squeeze %dma_wait3A_34 : memref<1x125x160xbf16, #tpu.memory_space<vmem>> -> memref<125x160xbf16, #tpu.memory_space<vmem>>
      %dma_wait3A_36 = arith.constant 0 : i32
      %dma_wait3A_37 = arith.constant 0 : i32
      %dma_wait3A_38 = tpu.memref_slice %arg2[%dma_wait3A_36, %dma_wait3A_37] : memref<10240x160xbf16, #tpu.memory_space<hbm>> -> memref<125x160xbf16, #tpu.memory_space<hbm>>
      tpu.wait_dma2 semaphore(%arg12 : memref<!tpu.dma_semaphore, #tpu.memory_space<semaphore_mem>>) src(%dma_wait3A_38 : memref<125x160xbf16, #tpu.memory_space<hbm>>) dst(%dma_wait3A_35 : memref<125x160xbf16, #tpu.memory_space<vmem>>)
      %dma_start3A_39 = arith.constant 0 : i32
      %dma_start3A_40 = arith.constant 0 : i32
      %dma_start3A_41 = arith.constant 0 : i32
      %dma_start3A_42 = arith.constant 0 : i32
      %dma_start3A_43 = tpu.memref_slice %arg9[%dma_start3A_39, %dma_start3A_41, %dma_start3A_42] : memref<2x125x160xbf16, #tpu.memory_space<vmem>> -> memref<1x125x160xbf16, #tpu.memory_space<vmem>>
      %dma_start3A_44 = tpu.memref_squeeze %dma_start3A_43 : memref<1x125x160xbf16, #tpu.memory_space<vmem>> -> memref<125x160xbf16, #tpu.memory_space<vmem>>
      %dma_start3A_45 = arith.constant 0 : i32
      %dma_start3A_46 = tpu.memref_slice %arg8[%dma_start3A_40, %dma_start3A_45] : memref<16x125xi32, #tpu.memory_space<vmem>> -> memref<1x125xi32, #tpu.memory_space<vmem>>
      %dma_start3A_47 = tpu.memref_squeeze %dma_start3A_46 : memref<1x125xi32, #tpu.memory_space<vmem>> -> memref<125xi32, #tpu.memory_space<vmem>>
      %dma_start3A_48 = arith.constant 0 : i32
      %dma_start3A_49 = arith.constant 0 : i32
      %dma_start3A_50 = tpu.memref_slice %arg10[%dma_start3A_48, %dma_start3A_49] : memref<10240x160xbf16, #tpu.memory_space<vmem_shared>> -> memref<10240x160xbf16, #tpu.memory_space<vmem_shared>>
      tpu.enqueue_indirect_dma source(%dma_start3A_44 : memref<125x160xbf16, #tpu.memory_space<vmem>>) target(%dma_start3A_50 : memref<10240x160xbf16, #tpu.memory_space<vmem_shared>>) offsets(%dma_start3A_47 : memref<125xi32, #tpu.memory_space<vmem>>) semaphore(%arg13 : memref<!tpu.dma_semaphore, #tpu.memory_space<semaphore_mem>>) {add = true}
      %dma_start3A_51 = arith.constant 1 : i32
      %dma_start3A_52 = arith.constant 1 : i32
      %dma_start3A_53 = arith.constant 0 : i32
      %dma_start3A_54 = arith.constant 0 : i32
      %dma_start3A_55 = tpu.memref_slice %arg9[%dma_start3A_52, %dma_start3A_53, %dma_start3A_54] : memref<2x125x160xbf16, #tpu.memory_space<vmem>> -> memref<1x125x160xbf16, #tpu.memory_space<vmem>>
      %dma_start3A_56 = tpu.memref_squeeze %dma_start3A_55 : memref<1x125x160xbf16, #tpu.memory_space<vmem>> -> memref<125x160xbf16, #tpu.memory_space<vmem>>
      %dma_start3A_57 = arith.constant 0 : i32
      %dma_start3A_58 = tpu.memref_slice %arg7[%dma_start3A_51, %dma_start3A_57] : memref<16x125xi32, #tpu.memory_space<vmem>> -> memref<1x125xi32, #tpu.memory_space<vmem>>
      %dma_start3A_59 = tpu.memref_squeeze %dma_start3A_58 : memref<1x125xi32, #tpu.memory_space<vmem>> -> memref<125xi32, #tpu.memory_space<vmem>>
      %dma_start3A_60 = arith.constant 0 : i32
      %dma_start3A_61 = arith.constant 0 : i32
      %dma_start3A_62 = tpu.memref_slice %arg11[%dma_start3A_60, %dma_start3A_61] : memref<10240x160xbf16, #tpu.memory_space<vmem_shared>> -> memref<10240x160xbf16, #tpu.memory_space<vmem_shared>>
      tpu.enqueue_indirect_dma source(%dma_start3A_62 : memref<10240x160xbf16, #tpu.memory_space<vmem_shared>>) target(%dma_start3A_56 : memref<125x160xbf16, #tpu.memory_space<vmem>>) offsets(%dma_start3A_59 : memref<125xi32, #tpu.memory_space<vmem>>) semaphore(%arg12 : memref<!tpu.dma_semaphore, #tpu.memory_space<semaphore_mem>>)
      %scan3A_63 = arith.constant 0 : i32
      %scan3A_64 = arith.constant 1 : i32
      %scan3A_65 = arith.constant 14 : i32
      %scan3A_66 = arith.addi %scan3A_64, %scan3A_65 : i32
      %scan3A_67 = arith.constant 1 : i32
      scf.for %scan3A_126 = %scan3A_64 to %scan3A_66 step %scan3A_67  : i32 {
        %jit3A = arith.constant 2 : i32
        %eq3A = arith.constant 0 : i32
        %eq3A_127 = arith.cmpi eq, %jit3A, %eq3A : i32
        %jit3A_128 = arith.constant 1 : i32
        %select_n3A = arith.select %eq3A_127, %jit3A_128, %jit3A : i32
        %rem3A = arith.remsi %scan3A_126, %select_n3A : i32
        %ne3A = arith.constant 0 : i32
        %ne3A_129 = arith.cmpi ne, %rem3A, %ne3A : i32
        %lt3A = arith.constant 0 : i32
        %lt3A_130 = arith.cmpi slt, %rem3A, %lt3A : i32
        %lt3A_131 = arith.constant 0 : i32
        %lt3A_132 = arith.cmpi slt, %select_n3A, %lt3A_131 : i32
        %ne3A_133 = arith.xori %lt3A_130, %lt3A_132 : i1
        %and3A = arith.andi %ne3A_133, %ne3A_129 : i1
        %add3A_134 = arith.addi %rem3A, %select_n3A : i32
        %select_n3A_135 = arith.select %and3A, %add3A_134, %rem3A : i32
        %sub3A = arith.constant 1 : i32
        %sub3A_136 = arith.subi %sub3A, %select_n3A_135 : i32
        %dma_wait3A_137 = arith.constant 0 : i32
        %dma_wait3A_138 = arith.constant 0 : i32
        %dma_wait3A_139 = tpu.memref_slice %arg9[%select_n3A_135, %dma_wait3A_137, %dma_wait3A_138] : memref<2x125x160xbf16, #tpu.memory_space<vmem>> -> memref<1x125x160xbf16, #tpu.memory_space<vmem>>
        %dma_wait3A_140 = tpu.memref_squeeze %dma_wait3A_139 : memref<1x125x160xbf16, #tpu.memory_space<vmem>> -> memref<125x160xbf16, #tpu.memory_space<vmem>>
        %dma_wait3A_141 = arith.constant 0 : i32
        %dma_wait3A_142 = arith.constant 0 : i32
        %dma_wait3A_143 = tpu.memref_slice %arg2[%dma_wait3A_141, %dma_wait3A_142] : memref<10240x160xbf16, #tpu.memory_space<hbm>> -> memref<125x160xbf16, #tpu.memory_space<hbm>>
        %dma_wait3A_144 = arith.constant 0 : i32
        %dma_wait3A_145 = arith.constant 0 : i32
        %dma_wait3A_146 = tpu.memref_slice %arg9[%select_n3A_135, %dma_wait3A_144, %dma_wait3A_145] : memref<2x125x160xbf16, #tpu.memory_space<vmem>> -> memref<1x125x160xbf16, #tpu.memory_space<vmem>>
        %dma_wait3A_147 = tpu.memref_squeeze %dma_wait3A_146 : memref<1x125x160xbf16, #tpu.memory_space<vmem>> -> memref<125x160xbf16, #tpu.memory_space<vmem>>
        %dma_wait3A_148 = arith.constant 0 : i32
        %dma_wait3A_149 = arith.constant 0 : i32
        %dma_wait3A_150 = tpu.memref_slice %arg2[%dma_wait3A_148, %dma_wait3A_149] : memref<10240x160xbf16, #tpu.memory_space<hbm>> -> memref<125x160xbf16, #tpu.memory_space<hbm>>
        tpu.wait_dma2 semaphore(%arg12 : memref<!tpu.dma_semaphore, #tpu.memory_space<semaphore_mem>>) src(%dma_wait3A_150 : memref<125x160xbf16, #tpu.memory_space<hbm>>) dst(%dma_wait3A_147 : memref<125x160xbf16, #tpu.memory_space<vmem>>)
        %dma_wait3A_151 = arith.constant 0 : i32
        %dma_wait3A_152 = arith.constant 0 : i32
        %dma_wait3A_153 = tpu.memref_slice %arg9[%sub3A_136, %dma_wait3A_151, %dma_wait3A_152] : memref<2x125x160xbf16, #tpu.memory_space<vmem>> -> memref<1x125x160xbf16, #tpu.memory_space<vmem>>
        %dma_wait3A_154 = tpu.memref_squeeze %dma_wait3A_153 : memref<1x125x160xbf16, #tpu.memory_space<vmem>> -> memref<125x160xbf16, #tpu.memory_space<vmem>>
        %dma_wait3A_155 = arith.constant 0 : i32
        %dma_wait3A_156 = arith.constant 0 : i32
        %dma_wait3A_157 = tpu.memref_slice %arg10[%dma_wait3A_155, %dma_wait3A_156] : memref<10240x160xbf16, #tpu.memory_space<vmem_shared>> -> memref<125x160xbf16, #tpu.memory_space<vmem_shared>>
        %dma_wait3A_158 = arith.constant 0 : i32
        %dma_wait3A_159 = arith.constant 0 : i32
        %dma_wait3A_160 = tpu.memref_slice %arg10[%dma_wait3A_158, %dma_wait3A_159] : memref<10240x160xbf16, #tpu.memory_space<vmem_shared>> -> memref<125x160xbf16, #tpu.memory_space<vmem_shared>>
        %dma_wait3A_161 = arith.constant 0 : i32
        %dma_wait3A_162 = arith.constant 0 : i32
        %dma_wait3A_163 = tpu.memref_slice %arg9[%sub3A_136, %dma_wait3A_161, %dma_wait3A_162] : memref<2x125x160xbf16, #tpu.memory_space<vmem>> -> memref<1x125x160xbf16, #tpu.memory_space<vmem>>
        %dma_wait3A_164 = tpu.memref_squeeze %dma_wait3A_163 : memref<1x125x160xbf16, #tpu.memory_space<vmem>> -> memref<125x160xbf16, #tpu.memory_space<vmem>>
        tpu.wait_dma2 semaphore(%arg13 : memref<!tpu.dma_semaphore, #tpu.memory_space<semaphore_mem>>) src(%dma_wait3A_164 : memref<125x160xbf16, #tpu.memory_space<vmem>>) dst(%dma_wait3A_160 : memref<125x160xbf16, #tpu.memory_space<vmem_shared>>)
        %dma_start3A_165 = arith.constant 0 : i32
        %dma_start3A_166 = arith.constant 0 : i32
        %dma_start3A_167 = tpu.memref_slice %arg9[%select_n3A_135, %dma_start3A_165, %dma_start3A_166] : memref<2x125x160xbf16, #tpu.memory_space<vmem>> -> memref<1x125x160xbf16, #tpu.memory_space<vmem>>
        %dma_start3A_168 = tpu.memref_squeeze %dma_start3A_167 : memref<1x125x160xbf16, #tpu.memory_space<vmem>> -> memref<125x160xbf16, #tpu.memory_space<vmem>>
        %dma_start3A_169 = arith.constant 0 : i32
        %dma_start3A_170 = tpu.memref_slice %arg8[%scan3A_126, %dma_start3A_169] : memref<16x125xi32, #tpu.memory_space<vmem>> -> memref<1x125xi32, #tpu.memory_space<vmem>>
        %dma_start3A_171 = tpu.memref_squeeze %dma_start3A_170 : memref<1x125xi32, #tpu.memory_space<vmem>> -> memref<125xi32, #tpu.memory_space<vmem>>
        %dma_start3A_172 = arith.constant 0 : i32
        %dma_start3A_173 = arith.constant 0 : i32
        %dma_start3A_174 = tpu.memref_slice %arg10[%dma_start3A_172, %dma_start3A_173] : memref<10240x160xbf16, #tpu.memory_space<vmem_shared>> -> memref<10240x160xbf16, #tpu.memory_space<vmem_shared>>
        tpu.enqueue_indirect_dma source(%dma_start3A_168 : memref<125x160xbf16, #tpu.memory_space<vmem>>) target(%dma_start3A_174 : memref<10240x160xbf16, #tpu.memory_space<vmem_shared>>) offsets(%dma_start3A_171 : memref<125xi32, #tpu.memory_space<vmem>>) semaphore(%arg13 : memref<!tpu.dma_semaphore, #tpu.memory_space<semaphore_mem>>) {add = true}
        %add3A_175 = arith.constant 1 : i32
        %add3A_176 = arith.addi %scan3A_126, %add3A_175 : i32
        %dma_start3A_177 = arith.constant 0 : i32
        %dma_start3A_178 = arith.constant 0 : i32
        %dma_start3A_179 = tpu.memref_slice %arg9[%sub3A_136, %dma_start3A_177, %dma_start3A_178] : memref<2x125x160xbf16, #tpu.memory_space<vmem>> -> memref<1x125x160xbf16, #tpu.memory_space<vmem>>
        %dma_start3A_180 = tpu.memref_squeeze %dma_start3A_179 : memref<1x125x160xbf16, #tpu.memory_space<vmem>> -> memref<125x160xbf16, #tpu.memory_space<vmem>>
        %dma_start3A_181 = arith.constant 0 : i32
        %dma_start3A_182 = tpu.memref_slice %arg7[%add3A_176, %dma_start3A_181] : memref<16x125xi32, #tpu.memory_space<vmem>> -> memref<1x125xi32, #tpu.memory_space<vmem>>
        %dma_start3A_183 = tpu.memref_squeeze %dma_start3A_182 : memref<1x125xi32, #tpu.memory_space<vmem>> -> memref<125xi32, #tpu.memory_space<vmem>>
        %dma_start3A_184 = arith.constant 0 : i32
        %dma_start3A_185 = arith.constant 0 : i32
        %dma_start3A_186 = tpu.memref_slice %arg11[%dma_start3A_184, %dma_start3A_185] : memref<10240x160xbf16, #tpu.memory_space<vmem_shared>> -> memref<10240x160xbf16, #tpu.memory_space<vmem_shared>>
        tpu.enqueue_indirect_dma source(%dma_start3A_186 : memref<10240x160xbf16, #tpu.memory_space<vmem_shared>>) target(%dma_start3A_180 : memref<125x160xbf16, #tpu.memory_space<vmem>>) offsets(%dma_start3A_183 : memref<125xi32, #tpu.memory_space<vmem>>) semaphore(%arg12 : memref<!tpu.dma_semaphore, #tpu.memory_space<semaphore_mem>>)
      }
      %scan3A_68 = arith.constant 14 : i32
      %dma_wait3A_69 = arith.constant 1 : i32
      %dma_wait3A_70 = arith.constant 0 : i32
      %dma_wait3A_71 = arith.constant 0 : i32
      %dma_wait3A_72 = tpu.memref_slice %arg9[%dma_wait3A_69, %dma_wait3A_70, %dma_wait3A_71] : memref<2x125x160xbf16, #tpu.memory_space<vmem>> -> memref<1x125x160xbf16, #tpu.memory_space<vmem>>
      %dma_wait3A_73 = tpu.memref_squeeze %dma_wait3A_72 : memref<1x125x160xbf16, #tpu.memory_space<vmem>> -> memref<125x160xbf16, #tpu.memory_space<vmem>>
      %dma_wait3A_74 = arith.constant 0 : i32
      %dma_wait3A_75 = arith.constant 0 : i32
      %dma_wait3A_76 = tpu.memref_slice %arg2[%dma_wait3A_74, %dma_wait3A_75] : memref<10240x160xbf16, #tpu.memory_space<hbm>> -> memref<125x160xbf16, #tpu.memory_space<hbm>>
      %dma_wait3A_77 = arith.constant 0 : i32
      %dma_wait3A_78 = arith.constant 0 : i32
      %dma_wait3A_79 = tpu.memref_slice %arg9[%dma_wait3A_69, %dma_wait3A_77, %dma_wait3A_78] : memref<2x125x160xbf16, #tpu.memory_space<vmem>> -> memref<1x125x160xbf16, #tpu.memory_space<vmem>>
      %dma_wait3A_80 = tpu.memref_squeeze %dma_wait3A_79 : memref<1x125x160xbf16, #tpu.memory_space<vmem>> -> memref<125x160xbf16, #tpu.memory_space<vmem>>
      %dma_wait3A_81 = arith.constant 0 : i32
      %dma_wait3A_82 = arith.constant 0 : i32
      %dma_wait3A_83 = tpu.memref_slice %arg2[%dma_wait3A_81, %dma_wait3A_82] : memref<10240x160xbf16, #tpu.memory_space<hbm>> -> memref<125x160xbf16, #tpu.memory_space<hbm>>
      tpu.wait_dma2 semaphore(%arg12 : memref<!tpu.dma_semaphore, #tpu.memory_space<semaphore_mem>>) src(%dma_wait3A_83 : memref<125x160xbf16, #tpu.memory_space<hbm>>) dst(%dma_wait3A_80 : memref<125x160xbf16, #tpu.memory_space<vmem>>)
      %dma_wait3A_84 = arith.constant 0 : i32
      %dma_wait3A_85 = arith.constant 0 : i32
      %dma_wait3A_86 = arith.constant 0 : i32
      %dma_wait3A_87 = tpu.memref_slice %arg9[%dma_wait3A_84, %dma_wait3A_85, %dma_wait3A_86] : memref<2x125x160xbf16, #tpu.memory_space<vmem>> -> memref<1x125x160xbf16, #tpu.memory_space<vmem>>
      %dma_wait3A_88 = tpu.memref_squeeze %dma_wait3A_87 : memref<1x125x160xbf16, #tpu.memory_space<vmem>> -> memref<125x160xbf16, #tpu.memory_space<vmem>>
      %dma_wait3A_89 = arith.constant 0 : i32
      %dma_wait3A_90 = arith.constant 0 : i32
      %dma_wait3A_91 = tpu.memref_slice %arg10[%dma_wait3A_89, %dma_wait3A_90] : memref<10240x160xbf16, #tpu.memory_space<vmem_shared>> -> memref<125x160xbf16, #tpu.memory_space<vmem_shared>>
      %dma_wait3A_92 = arith.constant 0 : i32
      %dma_wait3A_93 = arith.constant 0 : i32
      %dma_wait3A_94 = tpu.memref_slice %arg10[%dma_wait3A_92, %dma_wait3A_93] : memref<10240x160xbf16, #tpu.memory_space<vmem_shared>> -> memref<125x160xbf16, #tpu.memory_space<vmem_shared>>
      %dma_wait3A_95 = arith.constant 0 : i32
      %dma_wait3A_96 = arith.constant 0 : i32
      %dma_wait3A_97 = tpu.memref_slice %arg9[%dma_wait3A_84, %dma_wait3A_95, %dma_wait3A_96] : memref<2x125x160xbf16, #tpu.memory_space<vmem>> -> memref<1x125x160xbf16, #tpu.memory_space<vmem>>
      %dma_wait3A_98 = tpu.memref_squeeze %dma_wait3A_97 : memref<1x125x160xbf16, #tpu.memory_space<vmem>> -> memref<125x160xbf16, #tpu.memory_space<vmem>>
      tpu.wait_dma2 semaphore(%arg13 : memref<!tpu.dma_semaphore, #tpu.memory_space<semaphore_mem>>) src(%dma_wait3A_98 : memref<125x160xbf16, #tpu.memory_space<vmem>>) dst(%dma_wait3A_94 : memref<125x160xbf16, #tpu.memory_space<vmem_shared>>)
      %dma_start3A_99 = arith.constant 1 : i32
      %dma_start3A_100 = arith.constant 15 : i32
      %dma_start3A_101 = arith.constant 0 : i32
      %dma_start3A_102 = arith.constant 0 : i32
      %dma_start3A_103 = tpu.memref_slice %arg9[%dma_start3A_99, %dma_start3A_101, %dma_start3A_102] : memref<2x125x160xbf16, #tpu.memory_space<vmem>> -> memref<1x125x160xbf16, #tpu.memory_space<vmem>>
      %dma_start3A_104 = tpu.memref_squeeze %dma_start3A_103 : memref<1x125x160xbf16, #tpu.memory_space<vmem>> -> memref<125x160xbf16, #tpu.memory_space<vmem>>
      %dma_start3A_105 = arith.constant 0 : i32
      %dma_start3A_106 = tpu.memref_slice %arg8[%dma_start3A_100, %dma_start3A_105] : memref<16x125xi32, #tpu.memory_space<vmem>> -> memref<1x125xi32, #tpu.memory_space<vmem>>
      %dma_start3A_107 = tpu.memref_squeeze %dma_start3A_106 : memref<1x125xi32, #tpu.memory_space<vmem>> -> memref<125xi32, #tpu.memory_space<vmem>>
      %dma_start3A_108 = arith.constant 0 : i32
      %dma_start3A_109 = arith.constant 0 : i32
      %dma_start3A_110 = tpu.memref_slice %arg10[%dma_start3A_108, %dma_start3A_109] : memref<10240x160xbf16, #tpu.memory_space<vmem_shared>> -> memref<10240x160xbf16, #tpu.memory_space<vmem_shared>>
      tpu.enqueue_indirect_dma source(%dma_start3A_104 : memref<125x160xbf16, #tpu.memory_space<vmem>>) target(%dma_start3A_110 : memref<10240x160xbf16, #tpu.memory_space<vmem_shared>>) offsets(%dma_start3A_107 : memref<125xi32, #tpu.memory_space<vmem>>) semaphore(%arg13 : memref<!tpu.dma_semaphore, #tpu.memory_space<semaphore_mem>>) {add = true}
      %dma_wait3A_111 = arith.constant 1 : i32
      %dma_wait3A_112 = arith.constant 0 : i32
      %dma_wait3A_113 = arith.constant 0 : i32
      %dma_wait3A_114 = tpu.memref_slice %arg9[%dma_wait3A_111, %dma_wait3A_112, %dma_wait3A_113] : memref<2x125x160xbf16, #tpu.memory_space<vmem>> -> memref<1x125x160xbf16, #tpu.memory_space<vmem>>
      %dma_wait3A_115 = tpu.memref_squeeze %dma_wait3A_114 : memref<1x125x160xbf16, #tpu.memory_space<vmem>> -> memref<125x160xbf16, #tpu.memory_space<vmem>>
      %dma_wait3A_116 = arith.constant 0 : i32
      %dma_wait3A_117 = arith.constant 0 : i32
      %dma_wait3A_118 = tpu.memref_slice %arg10[%dma_wait3A_116, %dma_wait3A_117] : memref<10240x160xbf16, #tpu.memory_space<vmem_shared>> -> memref<125x160xbf16, #tpu.memory_space<vmem_shared>>
      %dma_wait3A_119 = arith.constant 0 : i32
      %dma_wait3A_120 = arith.constant 0 : i32
      %dma_wait3A_121 = tpu.memref_slice %arg10[%dma_wait3A_119, %dma_wait3A_120] : memref<10240x160xbf16, #tpu.memory_space<vmem_shared>> -> memref<125x160xbf16, #tpu.memory_space<vmem_shared>>
      %dma_wait3A_122 = arith.constant 0 : i32
      %dma_wait3A_123 = arith.constant 0 : i32
      %dma_wait3A_124 = tpu.memref_slice %arg9[%dma_wait3A_111, %dma_wait3A_122, %dma_wait3A_123] : memref<2x125x160xbf16, #tpu.memory_space<vmem>> -> memref<1x125x160xbf16, #tpu.memory_space<vmem>>
      %dma_wait3A_125 = tpu.memref_squeeze %dma_wait3A_124 : memref<1x125x160xbf16, #tpu.memory_space<vmem>> -> memref<125x160xbf16, #tpu.memory_space<vmem>>
      tpu.wait_dma2 semaphore(%arg13 : memref<!tpu.dma_semaphore, #tpu.memory_space<semaphore_mem>>) src(%dma_wait3A_125 : memref<125x160xbf16, #tpu.memory_space<vmem>>) dst(%dma_wait3A_121 : memref<125x160xbf16, #tpu.memory_space<vmem_shared>>)
    }
    %scan3A_7 = arith.constant 5 : i32
    %barrier3A_8 = arith.constant 0 : index
    tpu.barrier barrier_id(%barrier3A_8)
    "tpu.region"() ({
      %run_scoped3A = tpu.sem_alloc : memref<!tpu.dma_semaphore, #tpu.memory_space<semaphore_mem>>
      %dma_start3A = arith.constant 0 : i32
      %dma_start3A_9 = tpu.memref_slice %arg6[%arg0, %mul3A_2, %dma_start3A] : memref<2x10240x160xbf16, #tpu.memory_space<hbm>> -> memref<1x640x160xbf16, #tpu.memory_space<hbm>>
      %dma_start3A_10 = tpu.memref_squeeze %dma_start3A_9 : memref<1x640x160xbf16, #tpu.memory_space<hbm>> -> memref<640x160xbf16, #tpu.memory_space<hbm>>
      %dma_start3A_11 = arith.constant 0 : i32
      %dma_start3A_12 = tpu.memref_slice %arg10[%mul3A_2, %dma_start3A_11] : memref<10240x160xbf16, #tpu.memory_space<vmem_shared>> -> memref<640x160xbf16, #tpu.memory_space<vmem_shared>>
      tpu.enqueue_dma source(%dma_start3A_12 : memref<640x160xbf16, #tpu.memory_space<vmem_shared>>) target(%dma_start3A_10 : memref<640x160xbf16, #tpu.memory_space<hbm>>) target_semaphore(%run_scoped3A : memref<!tpu.dma_semaphore, #tpu.memory_space<semaphore_mem>>)
      %dma_wait3A = arith.constant 0 : i32
      %dma_wait3A_13 = tpu.memref_slice %arg6[%arg0, %mul3A_2, %dma_wait3A] : memref<2x10240x160xbf16, #tpu.memory_space<hbm>> -> memref<1x640x160xbf16, #tpu.memory_space<hbm>>
      %dma_wait3A_14 = tpu.memref_squeeze %dma_wait3A_13 : memref<1x640x160xbf16, #tpu.memory_space<hbm>> -> memref<640x160xbf16, #tpu.memory_space<hbm>>
      %dma_wait3A_15 = arith.constant 0 : i32
      %dma_wait3A_16 = tpu.memref_slice %arg10[%mul3A_2, %dma_wait3A_15] : memref<10240x160xbf16, #tpu.memory_space<vmem_shared>> -> memref<640x160xbf16, #tpu.memory_space<vmem_shared>>
      tpu.wait_dma2 semaphore(%run_scoped3A : memref<!tpu.dma_semaphore, #tpu.memory_space<semaphore_mem>>) src(%dma_wait3A_16 : memref<640x160xbf16, #tpu.memory_space<vmem_shared>>) dst(%dma_wait3A_14 : memref<640x160xbf16, #tpu.memory_space<hbm>>)
      tpu.yield
    }) : () -> ()
    return
  }
}

#map = affine_map<(d0, d1) -> (0, 0)>
#map1 = affine_map<(d0, d1) -> (0, 0, 0)>
module attributes {stable_mosaic.version = 14 : i64} {
  func.func @_sc_agg_impl(%arg0: i32, %arg1: i32, %arg2: memref<10240x48xf32, #tpu.memory_space<hbm>>, %arg3: memref<32x80x125xi32, #tpu.memory_space<hbm>>, %arg4: memref<32x80x125xi32, #tpu.memory_space<hbm>>, %arg5: memref<640x48xf32, #tpu.memory_space<hbm>>, %arg6: memref<2x10240x48xf32, #tpu.memory_space<hbm>>, %arg7: memref<16x125xi32, #tpu.memory_space<vmem>>, %arg8: memref<16x125xi32, #tpu.memory_space<vmem>>, %arg9: memref<2x125x48xf32, #tpu.memory_space<vmem>>, %arg10: memref<10240x48xf32, #tpu.memory_space<vmem_shared>>, %arg11: memref<10240x48xf32, #tpu.memory_space<vmem_shared>>, %arg12: memref<!tpu.dma_semaphore, #tpu.memory_space<semaphore_mem>>, %arg13: memref<!tpu.dma_semaphore, #tpu.memory_space<semaphore_mem>>) attributes {dimension_semantics = [#tpu.dimension_semantics<core_parallel>, #tpu.dimension_semantics<subcore_parallel>], iteration_bounds = array<i64: 2, 16>, scalar_prefetch = 0 : i64, scratch_operands = 7 : i64, tpu.core_type = #tpu.core_type<sc_vector_subcore>, window_params = [{transform_indices = #map}, {transform_indices = #map1}, {transform_indices = #map1}, {transform_indices = #map}, {transform_indices = #map1}]} {
    %mul3A = arith.constant 16 : i32
    %mul3A_0 = arith.muli %arg0, %mul3A : i32
    %add3A = arith.addi %mul3A_0, %arg1 : i32
    %mul3A_1 = arith.constant 640 : i32
    %mul3A_2 = arith.muli %arg1, %mul3A_1 : i32
    "tpu.region"() ({
      %run_scoped3A = tpu.sem_alloc : memref<!tpu.dma_semaphore, #tpu.memory_space<semaphore_mem>>
      %dma_start3A = arith.constant 0 : i32
      %dma_start3A_9 = tpu.memref_slice %arg10[%mul3A_2, %dma_start3A] : memref<10240x48xf32, #tpu.memory_space<vmem_shared>> -> memref<640x48xf32, #tpu.memory_space<vmem_shared>>
      tpu.enqueue_dma source(%arg5 : memref<640x48xf32, #tpu.memory_space<hbm>>) target(%dma_start3A_9 : memref<640x48xf32, #tpu.memory_space<vmem_shared>>) target_semaphore(%run_scoped3A : memref<!tpu.dma_semaphore, #tpu.memory_space<semaphore_mem>>)
      %dma_wait3A = arith.constant 0 : i32
      %dma_wait3A_10 = tpu.memref_slice %arg10[%mul3A_2, %dma_wait3A] : memref<10240x48xf32, #tpu.memory_space<vmem_shared>> -> memref<640x48xf32, #tpu.memory_space<vmem_shared>>
      tpu.wait_dma2 semaphore(%run_scoped3A : memref<!tpu.dma_semaphore, #tpu.memory_space<semaphore_mem>>) src(%arg5 : memref<640x48xf32, #tpu.memory_space<hbm>>) dst(%dma_wait3A_10 : memref<640x48xf32, #tpu.memory_space<vmem_shared>>)
      tpu.yield
    }) : () -> ()
    "tpu.region"() ({
      %run_scoped3A = tpu.sem_alloc : memref<!tpu.dma_semaphore, #tpu.memory_space<semaphore_mem>>
      %dma_start3A = arith.constant 0 : i32
      %dma_start3A_9 = tpu.memref_slice %arg11[%mul3A_2, %dma_start3A] : memref<10240x48xf32, #tpu.memory_space<vmem_shared>> -> memref<640x48xf32, #tpu.memory_space<vmem_shared>>
      %dma_start3A_10 = arith.constant 0 : i32
      %dma_start3A_11 = tpu.memref_slice %arg2[%mul3A_2, %dma_start3A_10] : memref<10240x48xf32, #tpu.memory_space<hbm>> -> memref<640x48xf32, #tpu.memory_space<hbm>>
      tpu.enqueue_dma source(%dma_start3A_11 : memref<640x48xf32, #tpu.memory_space<hbm>>) target(%dma_start3A_9 : memref<640x48xf32, #tpu.memory_space<vmem_shared>>) target_semaphore(%run_scoped3A : memref<!tpu.dma_semaphore, #tpu.memory_space<semaphore_mem>>)
      %dma_wait3A = arith.constant 0 : i32
      %dma_wait3A_12 = tpu.memref_slice %arg11[%mul3A_2, %dma_wait3A] : memref<10240x48xf32, #tpu.memory_space<vmem_shared>> -> memref<640x48xf32, #tpu.memory_space<vmem_shared>>
      %dma_wait3A_13 = arith.constant 0 : i32
      %dma_wait3A_14 = tpu.memref_slice %arg2[%mul3A_2, %dma_wait3A_13] : memref<10240x48xf32, #tpu.memory_space<hbm>> -> memref<640x48xf32, #tpu.memory_space<hbm>>
      tpu.wait_dma2 semaphore(%run_scoped3A : memref<!tpu.dma_semaphore, #tpu.memory_space<semaphore_mem>>) src(%dma_wait3A_14 : memref<640x48xf32, #tpu.memory_space<hbm>>) dst(%dma_wait3A_12 : memref<640x48xf32, #tpu.memory_space<vmem_shared>>)
      tpu.yield
    }) : () -> ()
    %barrier3A = arith.constant 0 : index
    tpu.barrier barrier_id(%barrier3A)
    %scan3A = arith.constant 0 : i32
    %scan3A_3 = arith.constant 0 : i32
    %scan3A_4 = arith.constant 5 : i32
    %scan3A_5 = arith.addi %scan3A_3, %scan3A_4 : i32
    %scan3A_6 = arith.constant 1 : i32
    scf.for %scan3A_9 = %scan3A_3 to %scan3A_5 step %scan3A_6  : i32 {
      %mul3A_10 = arith.constant 16 : i32
      %mul3A_11 = arith.muli %scan3A_9, %mul3A_10 : i32
      "tpu.region"() ({
        %run_scoped3A = tpu.sem_alloc : memref<!tpu.dma_semaphore, #tpu.memory_space<semaphore_mem>>
        %dma_start3A_126 = arith.constant 0 : i32
        %dma_start3A_127 = tpu.memref_slice %arg3[%add3A, %mul3A_11, %dma_start3A_126] : memref<32x80x125xi32, #tpu.memory_space<hbm>> -> memref<1x16x125xi32, #tpu.memory_space<hbm>>
        %dma_start3A_128 = tpu.memref_squeeze %dma_start3A_127 : memref<1x16x125xi32, #tpu.memory_space<hbm>> -> memref<16x125xi32, #tpu.memory_space<hbm>>
        %dma_start3A_129 = arith.constant 0 : i32
        %dma_start3A_130 = tpu.memref_slice %arg3[%add3A, %mul3A_11, %dma_start3A_129] : memref<32x80x125xi32, #tpu.memory_space<hbm>> -> memref<1x16x125xi32, #tpu.memory_space<hbm>>
        %dma_start3A_131 = tpu.memref_squeeze %dma_start3A_130 : memref<1x16x125xi32, #tpu.memory_space<hbm>> -> memref<16x125xi32, #tpu.memory_space<hbm>>
        tpu.enqueue_dma source(%dma_start3A_131 : memref<16x125xi32, #tpu.memory_space<hbm>>) target(%arg7 : memref<16x125xi32, #tpu.memory_space<vmem>>) target_semaphore(%run_scoped3A : memref<!tpu.dma_semaphore, #tpu.memory_space<semaphore_mem>>)
        %dma_wait3A_132 = arith.constant 0 : i32
        %dma_wait3A_133 = tpu.memref_slice %arg3[%add3A, %mul3A_11, %dma_wait3A_132] : memref<32x80x125xi32, #tpu.memory_space<hbm>> -> memref<1x16x125xi32, #tpu.memory_space<hbm>>
        %dma_wait3A_134 = tpu.memref_squeeze %dma_wait3A_133 : memref<1x16x125xi32, #tpu.memory_space<hbm>> -> memref<16x125xi32, #tpu.memory_space<hbm>>
        %dma_wait3A_135 = arith.constant 0 : i32
        %dma_wait3A_136 = tpu.memref_slice %arg3[%add3A, %mul3A_11, %dma_wait3A_135] : memref<32x80x125xi32, #tpu.memory_space<hbm>> -> memref<1x16x125xi32, #tpu.memory_space<hbm>>
        %dma_wait3A_137 = tpu.memref_squeeze %dma_wait3A_136 : memref<1x16x125xi32, #tpu.memory_space<hbm>> -> memref<16x125xi32, #tpu.memory_space<hbm>>
        tpu.wait_dma2 semaphore(%run_scoped3A : memref<!tpu.dma_semaphore, #tpu.memory_space<semaphore_mem>>) src(%dma_wait3A_137 : memref<16x125xi32, #tpu.memory_space<hbm>>) dst(%arg7 : memref<16x125xi32, #tpu.memory_space<vmem>>)
        tpu.yield
      }) : () -> ()
      %mul3A_12 = arith.constant 16 : i32
      %mul3A_13 = arith.muli %scan3A_9, %mul3A_12 : i32
      "tpu.region"() ({
        %run_scoped3A = tpu.sem_alloc : memref<!tpu.dma_semaphore, #tpu.memory_space<semaphore_mem>>
        %dma_start3A_126 = arith.constant 0 : i32
        %dma_start3A_127 = tpu.memref_slice %arg4[%add3A, %mul3A_13, %dma_start3A_126] : memref<32x80x125xi32, #tpu.memory_space<hbm>> -> memref<1x16x125xi32, #tpu.memory_space<hbm>>
        %dma_start3A_128 = tpu.memref_squeeze %dma_start3A_127 : memref<1x16x125xi32, #tpu.memory_space<hbm>> -> memref<16x125xi32, #tpu.memory_space<hbm>>
        %dma_start3A_129 = arith.constant 0 : i32
        %dma_start3A_130 = tpu.memref_slice %arg4[%add3A, %mul3A_13, %dma_start3A_129] : memref<32x80x125xi32, #tpu.memory_space<hbm>> -> memref<1x16x125xi32, #tpu.memory_space<hbm>>
        %dma_start3A_131 = tpu.memref_squeeze %dma_start3A_130 : memref<1x16x125xi32, #tpu.memory_space<hbm>> -> memref<16x125xi32, #tpu.memory_space<hbm>>
        tpu.enqueue_dma source(%dma_start3A_131 : memref<16x125xi32, #tpu.memory_space<hbm>>) target(%arg8 : memref<16x125xi32, #tpu.memory_space<vmem>>) target_semaphore(%run_scoped3A : memref<!tpu.dma_semaphore, #tpu.memory_space<semaphore_mem>>)
        %dma_wait3A_132 = arith.constant 0 : i32
        %dma_wait3A_133 = tpu.memref_slice %arg4[%add3A, %mul3A_13, %dma_wait3A_132] : memref<32x80x125xi32, #tpu.memory_space<hbm>> -> memref<1x16x125xi32, #tpu.memory_space<hbm>>
        %dma_wait3A_134 = tpu.memref_squeeze %dma_wait3A_133 : memref<1x16x125xi32, #tpu.memory_space<hbm>> -> memref<16x125xi32, #tpu.memory_space<hbm>>
        %dma_wait3A_135 = arith.constant 0 : i32
        %dma_wait3A_136 = tpu.memref_slice %arg4[%add3A, %mul3A_13, %dma_wait3A_135] : memref<32x80x125xi32, #tpu.memory_space<hbm>> -> memref<1x16x125xi32, #tpu.memory_space<hbm>>
        %dma_wait3A_137 = tpu.memref_squeeze %dma_wait3A_136 : memref<1x16x125xi32, #tpu.memory_space<hbm>> -> memref<16x125xi32, #tpu.memory_space<hbm>>
        tpu.wait_dma2 semaphore(%run_scoped3A : memref<!tpu.dma_semaphore, #tpu.memory_space<semaphore_mem>>) src(%dma_wait3A_137 : memref<16x125xi32, #tpu.memory_space<hbm>>) dst(%arg8 : memref<16x125xi32, #tpu.memory_space<vmem>>)
        tpu.yield
      }) : () -> ()
      %dma_start3A = arith.constant 0 : i32
      %dma_start3A_14 = arith.constant 0 : i32
      %dma_start3A_15 = arith.constant 0 : i32
      %dma_start3A_16 = arith.constant 0 : i32
      %dma_start3A_17 = tpu.memref_slice %arg9[%dma_start3A_14, %dma_start3A_15, %dma_start3A_16] : memref<2x125x48xf32, #tpu.memory_space<vmem>> -> memref<1x125x48xf32, #tpu.memory_space<vmem>>
      %dma_start3A_18 = tpu.memref_squeeze %dma_start3A_17 : memref<1x125x48xf32, #tpu.memory_space<vmem>> -> memref<125x48xf32, #tpu.memory_space<vmem>>
      %dma_start3A_19 = arith.constant 0 : i32
      %dma_start3A_20 = tpu.memref_slice %arg7[%dma_start3A, %dma_start3A_19] : memref<16x125xi32, #tpu.memory_space<vmem>> -> memref<1x125xi32, #tpu.memory_space<vmem>>
      %dma_start3A_21 = tpu.memref_squeeze %dma_start3A_20 : memref<1x125xi32, #tpu.memory_space<vmem>> -> memref<125xi32, #tpu.memory_space<vmem>>
      %dma_start3A_22 = arith.constant 0 : i32
      %dma_start3A_23 = arith.constant 0 : i32
      %dma_start3A_24 = tpu.memref_slice %arg11[%dma_start3A_22, %dma_start3A_23] : memref<10240x48xf32, #tpu.memory_space<vmem_shared>> -> memref<10240x48xf32, #tpu.memory_space<vmem_shared>>
      tpu.enqueue_indirect_dma source(%dma_start3A_24 : memref<10240x48xf32, #tpu.memory_space<vmem_shared>>) target(%dma_start3A_18 : memref<125x48xf32, #tpu.memory_space<vmem>>) offsets(%dma_start3A_21 : memref<125xi32, #tpu.memory_space<vmem>>) semaphore(%arg12 : memref<!tpu.dma_semaphore, #tpu.memory_space<semaphore_mem>>)
      %dma_wait3A = arith.constant 0 : i32
      %dma_wait3A_25 = arith.constant 0 : i32
      %dma_wait3A_26 = arith.constant 0 : i32
      %dma_wait3A_27 = tpu.memref_slice %arg9[%dma_wait3A, %dma_wait3A_25, %dma_wait3A_26] : memref<2x125x48xf32, #tpu.memory_space<vmem>> -> memref<1x125x48xf32, #tpu.memory_space<vmem>>
      %dma_wait3A_28 = tpu.memref_squeeze %dma_wait3A_27 : memref<1x125x48xf32, #tpu.memory_space<vmem>> -> memref<125x48xf32, #tpu.memory_space<vmem>>
      %dma_wait3A_29 = arith.constant 0 : i32
      %dma_wait3A_30 = arith.constant 0 : i32
      %dma_wait3A_31 = tpu.memref_slice %arg2[%dma_wait3A_29, %dma_wait3A_30] : memref<10240x48xf32, #tpu.memory_space<hbm>> -> memref<125x48xf32, #tpu.memory_space<hbm>>
      %dma_wait3A_32 = arith.constant 0 : i32
      %dma_wait3A_33 = arith.constant 0 : i32
      %dma_wait3A_34 = tpu.memref_slice %arg9[%dma_wait3A, %dma_wait3A_32, %dma_wait3A_33] : memref<2x125x48xf32, #tpu.memory_space<vmem>> -> memref<1x125x48xf32, #tpu.memory_space<vmem>>
      %dma_wait3A_35 = tpu.memref_squeeze %dma_wait3A_34 : memref<1x125x48xf32, #tpu.memory_space<vmem>> -> memref<125x48xf32, #tpu.memory_space<vmem>>
      %dma_wait3A_36 = arith.constant 0 : i32
      %dma_wait3A_37 = arith.constant 0 : i32
      %dma_wait3A_38 = tpu.memref_slice %arg2[%dma_wait3A_36, %dma_wait3A_37] : memref<10240x48xf32, #tpu.memory_space<hbm>> -> memref<125x48xf32, #tpu.memory_space<hbm>>
      tpu.wait_dma2 semaphore(%arg12 : memref<!tpu.dma_semaphore, #tpu.memory_space<semaphore_mem>>) src(%dma_wait3A_38 : memref<125x48xf32, #tpu.memory_space<hbm>>) dst(%dma_wait3A_35 : memref<125x48xf32, #tpu.memory_space<vmem>>)
      %dma_start3A_39 = arith.constant 0 : i32
      %dma_start3A_40 = arith.constant 0 : i32
      %dma_start3A_41 = arith.constant 0 : i32
      %dma_start3A_42 = arith.constant 0 : i32
      %dma_start3A_43 = tpu.memref_slice %arg9[%dma_start3A_39, %dma_start3A_41, %dma_start3A_42] : memref<2x125x48xf32, #tpu.memory_space<vmem>> -> memref<1x125x48xf32, #tpu.memory_space<vmem>>
      %dma_start3A_44 = tpu.memref_squeeze %dma_start3A_43 : memref<1x125x48xf32, #tpu.memory_space<vmem>> -> memref<125x48xf32, #tpu.memory_space<vmem>>
      %dma_start3A_45 = arith.constant 0 : i32
      %dma_start3A_46 = tpu.memref_slice %arg8[%dma_start3A_40, %dma_start3A_45] : memref<16x125xi32, #tpu.memory_space<vmem>> -> memref<1x125xi32, #tpu.memory_space<vmem>>
      %dma_start3A_47 = tpu.memref_squeeze %dma_start3A_46 : memref<1x125xi32, #tpu.memory_space<vmem>> -> memref<125xi32, #tpu.memory_space<vmem>>
      %dma_start3A_48 = arith.constant 0 : i32
      %dma_start3A_49 = arith.constant 0 : i32
      %dma_start3A_50 = tpu.memref_slice %arg10[%dma_start3A_48, %dma_start3A_49] : memref<10240x48xf32, #tpu.memory_space<vmem_shared>> -> memref<10240x48xf32, #tpu.memory_space<vmem_shared>>
      tpu.enqueue_indirect_dma source(%dma_start3A_44 : memref<125x48xf32, #tpu.memory_space<vmem>>) target(%dma_start3A_50 : memref<10240x48xf32, #tpu.memory_space<vmem_shared>>) offsets(%dma_start3A_47 : memref<125xi32, #tpu.memory_space<vmem>>) semaphore(%arg13 : memref<!tpu.dma_semaphore, #tpu.memory_space<semaphore_mem>>) {add = true}
      %dma_start3A_51 = arith.constant 1 : i32
      %dma_start3A_52 = arith.constant 1 : i32
      %dma_start3A_53 = arith.constant 0 : i32
      %dma_start3A_54 = arith.constant 0 : i32
      %dma_start3A_55 = tpu.memref_slice %arg9[%dma_start3A_52, %dma_start3A_53, %dma_start3A_54] : memref<2x125x48xf32, #tpu.memory_space<vmem>> -> memref<1x125x48xf32, #tpu.memory_space<vmem>>
      %dma_start3A_56 = tpu.memref_squeeze %dma_start3A_55 : memref<1x125x48xf32, #tpu.memory_space<vmem>> -> memref<125x48xf32, #tpu.memory_space<vmem>>
      %dma_start3A_57 = arith.constant 0 : i32
      %dma_start3A_58 = tpu.memref_slice %arg7[%dma_start3A_51, %dma_start3A_57] : memref<16x125xi32, #tpu.memory_space<vmem>> -> memref<1x125xi32, #tpu.memory_space<vmem>>
      %dma_start3A_59 = tpu.memref_squeeze %dma_start3A_58 : memref<1x125xi32, #tpu.memory_space<vmem>> -> memref<125xi32, #tpu.memory_space<vmem>>
      %dma_start3A_60 = arith.constant 0 : i32
      %dma_start3A_61 = arith.constant 0 : i32
      %dma_start3A_62 = tpu.memref_slice %arg11[%dma_start3A_60, %dma_start3A_61] : memref<10240x48xf32, #tpu.memory_space<vmem_shared>> -> memref<10240x48xf32, #tpu.memory_space<vmem_shared>>
      tpu.enqueue_indirect_dma source(%dma_start3A_62 : memref<10240x48xf32, #tpu.memory_space<vmem_shared>>) target(%dma_start3A_56 : memref<125x48xf32, #tpu.memory_space<vmem>>) offsets(%dma_start3A_59 : memref<125xi32, #tpu.memory_space<vmem>>) semaphore(%arg12 : memref<!tpu.dma_semaphore, #tpu.memory_space<semaphore_mem>>)
      %scan3A_63 = arith.constant 0 : i32
      %scan3A_64 = arith.constant 1 : i32
      %scan3A_65 = arith.constant 14 : i32
      %scan3A_66 = arith.addi %scan3A_64, %scan3A_65 : i32
      %scan3A_67 = arith.constant 1 : i32
      scf.for %scan3A_126 = %scan3A_64 to %scan3A_66 step %scan3A_67  : i32 {
        %jit3A = arith.constant 2 : i32
        %eq3A = arith.constant 0 : i32
        %eq3A_127 = arith.cmpi eq, %jit3A, %eq3A : i32
        %jit3A_128 = arith.constant 1 : i32
        %select_n3A = arith.select %eq3A_127, %jit3A_128, %jit3A : i32
        %rem3A = arith.remsi %scan3A_126, %select_n3A : i32
        %ne3A = arith.constant 0 : i32
        %ne3A_129 = arith.cmpi ne, %rem3A, %ne3A : i32
        %lt3A = arith.constant 0 : i32
        %lt3A_130 = arith.cmpi slt, %rem3A, %lt3A : i32
        %lt3A_131 = arith.constant 0 : i32
        %lt3A_132 = arith.cmpi slt, %select_n3A, %lt3A_131 : i32
        %ne3A_133 = arith.xori %lt3A_130, %lt3A_132 : i1
        %and3A = arith.andi %ne3A_133, %ne3A_129 : i1
        %add3A_134 = arith.addi %rem3A, %select_n3A : i32
        %select_n3A_135 = arith.select %and3A, %add3A_134, %rem3A : i32
        %sub3A = arith.constant 1 : i32
        %sub3A_136 = arith.subi %sub3A, %select_n3A_135 : i32
        %dma_wait3A_137 = arith.constant 0 : i32
        %dma_wait3A_138 = arith.constant 0 : i32
        %dma_wait3A_139 = tpu.memref_slice %arg9[%select_n3A_135, %dma_wait3A_137, %dma_wait3A_138] : memref<2x125x48xf32, #tpu.memory_space<vmem>> -> memref<1x125x48xf32, #tpu.memory_space<vmem>>
        %dma_wait3A_140 = tpu.memref_squeeze %dma_wait3A_139 : memref<1x125x48xf32, #tpu.memory_space<vmem>> -> memref<125x48xf32, #tpu.memory_space<vmem>>
        %dma_wait3A_141 = arith.constant 0 : i32
        %dma_wait3A_142 = arith.constant 0 : i32
        %dma_wait3A_143 = tpu.memref_slice %arg2[%dma_wait3A_141, %dma_wait3A_142] : memref<10240x48xf32, #tpu.memory_space<hbm>> -> memref<125x48xf32, #tpu.memory_space<hbm>>
        %dma_wait3A_144 = arith.constant 0 : i32
        %dma_wait3A_145 = arith.constant 0 : i32
        %dma_wait3A_146 = tpu.memref_slice %arg9[%select_n3A_135, %dma_wait3A_144, %dma_wait3A_145] : memref<2x125x48xf32, #tpu.memory_space<vmem>> -> memref<1x125x48xf32, #tpu.memory_space<vmem>>
        %dma_wait3A_147 = tpu.memref_squeeze %dma_wait3A_146 : memref<1x125x48xf32, #tpu.memory_space<vmem>> -> memref<125x48xf32, #tpu.memory_space<vmem>>
        %dma_wait3A_148 = arith.constant 0 : i32
        %dma_wait3A_149 = arith.constant 0 : i32
        %dma_wait3A_150 = tpu.memref_slice %arg2[%dma_wait3A_148, %dma_wait3A_149] : memref<10240x48xf32, #tpu.memory_space<hbm>> -> memref<125x48xf32, #tpu.memory_space<hbm>>
        tpu.wait_dma2 semaphore(%arg12 : memref<!tpu.dma_semaphore, #tpu.memory_space<semaphore_mem>>) src(%dma_wait3A_150 : memref<125x48xf32, #tpu.memory_space<hbm>>) dst(%dma_wait3A_147 : memref<125x48xf32, #tpu.memory_space<vmem>>)
        %dma_wait3A_151 = arith.constant 0 : i32
        %dma_wait3A_152 = arith.constant 0 : i32
        %dma_wait3A_153 = tpu.memref_slice %arg9[%sub3A_136, %dma_wait3A_151, %dma_wait3A_152] : memref<2x125x48xf32, #tpu.memory_space<vmem>> -> memref<1x125x48xf32, #tpu.memory_space<vmem>>
        %dma_wait3A_154 = tpu.memref_squeeze %dma_wait3A_153 : memref<1x125x48xf32, #tpu.memory_space<vmem>> -> memref<125x48xf32, #tpu.memory_space<vmem>>
        %dma_wait3A_155 = arith.constant 0 : i32
        %dma_wait3A_156 = arith.constant 0 : i32
        %dma_wait3A_157 = tpu.memref_slice %arg10[%dma_wait3A_155, %dma_wait3A_156] : memref<10240x48xf32, #tpu.memory_space<vmem_shared>> -> memref<125x48xf32, #tpu.memory_space<vmem_shared>>
        %dma_wait3A_158 = arith.constant 0 : i32
        %dma_wait3A_159 = arith.constant 0 : i32
        %dma_wait3A_160 = tpu.memref_slice %arg10[%dma_wait3A_158, %dma_wait3A_159] : memref<10240x48xf32, #tpu.memory_space<vmem_shared>> -> memref<125x48xf32, #tpu.memory_space<vmem_shared>>
        %dma_wait3A_161 = arith.constant 0 : i32
        %dma_wait3A_162 = arith.constant 0 : i32
        %dma_wait3A_163 = tpu.memref_slice %arg9[%sub3A_136, %dma_wait3A_161, %dma_wait3A_162] : memref<2x125x48xf32, #tpu.memory_space<vmem>> -> memref<1x125x48xf32, #tpu.memory_space<vmem>>
        %dma_wait3A_164 = tpu.memref_squeeze %dma_wait3A_163 : memref<1x125x48xf32, #tpu.memory_space<vmem>> -> memref<125x48xf32, #tpu.memory_space<vmem>>
        tpu.wait_dma2 semaphore(%arg13 : memref<!tpu.dma_semaphore, #tpu.memory_space<semaphore_mem>>) src(%dma_wait3A_164 : memref<125x48xf32, #tpu.memory_space<vmem>>) dst(%dma_wait3A_160 : memref<125x48xf32, #tpu.memory_space<vmem_shared>>)
        %dma_start3A_165 = arith.constant 0 : i32
        %dma_start3A_166 = arith.constant 0 : i32
        %dma_start3A_167 = tpu.memref_slice %arg9[%select_n3A_135, %dma_start3A_165, %dma_start3A_166] : memref<2x125x48xf32, #tpu.memory_space<vmem>> -> memref<1x125x48xf32, #tpu.memory_space<vmem>>
        %dma_start3A_168 = tpu.memref_squeeze %dma_start3A_167 : memref<1x125x48xf32, #tpu.memory_space<vmem>> -> memref<125x48xf32, #tpu.memory_space<vmem>>
        %dma_start3A_169 = arith.constant 0 : i32
        %dma_start3A_170 = tpu.memref_slice %arg8[%scan3A_126, %dma_start3A_169] : memref<16x125xi32, #tpu.memory_space<vmem>> -> memref<1x125xi32, #tpu.memory_space<vmem>>
        %dma_start3A_171 = tpu.memref_squeeze %dma_start3A_170 : memref<1x125xi32, #tpu.memory_space<vmem>> -> memref<125xi32, #tpu.memory_space<vmem>>
        %dma_start3A_172 = arith.constant 0 : i32
        %dma_start3A_173 = arith.constant 0 : i32
        %dma_start3A_174 = tpu.memref_slice %arg10[%dma_start3A_172, %dma_start3A_173] : memref<10240x48xf32, #tpu.memory_space<vmem_shared>> -> memref<10240x48xf32, #tpu.memory_space<vmem_shared>>
        tpu.enqueue_indirect_dma source(%dma_start3A_168 : memref<125x48xf32, #tpu.memory_space<vmem>>) target(%dma_start3A_174 : memref<10240x48xf32, #tpu.memory_space<vmem_shared>>) offsets(%dma_start3A_171 : memref<125xi32, #tpu.memory_space<vmem>>) semaphore(%arg13 : memref<!tpu.dma_semaphore, #tpu.memory_space<semaphore_mem>>) {add = true}
        %add3A_175 = arith.constant 1 : i32
        %add3A_176 = arith.addi %scan3A_126, %add3A_175 : i32
        %dma_start3A_177 = arith.constant 0 : i32
        %dma_start3A_178 = arith.constant 0 : i32
        %dma_start3A_179 = tpu.memref_slice %arg9[%sub3A_136, %dma_start3A_177, %dma_start3A_178] : memref<2x125x48xf32, #tpu.memory_space<vmem>> -> memref<1x125x48xf32, #tpu.memory_space<vmem>>
        %dma_start3A_180 = tpu.memref_squeeze %dma_start3A_179 : memref<1x125x48xf32, #tpu.memory_space<vmem>> -> memref<125x48xf32, #tpu.memory_space<vmem>>
        %dma_start3A_181 = arith.constant 0 : i32
        %dma_start3A_182 = tpu.memref_slice %arg7[%add3A_176, %dma_start3A_181] : memref<16x125xi32, #tpu.memory_space<vmem>> -> memref<1x125xi32, #tpu.memory_space<vmem>>
        %dma_start3A_183 = tpu.memref_squeeze %dma_start3A_182 : memref<1x125xi32, #tpu.memory_space<vmem>> -> memref<125xi32, #tpu.memory_space<vmem>>
        %dma_start3A_184 = arith.constant 0 : i32
        %dma_start3A_185 = arith.constant 0 : i32
        %dma_start3A_186 = tpu.memref_slice %arg11[%dma_start3A_184, %dma_start3A_185] : memref<10240x48xf32, #tpu.memory_space<vmem_shared>> -> memref<10240x48xf32, #tpu.memory_space<vmem_shared>>
        tpu.enqueue_indirect_dma source(%dma_start3A_186 : memref<10240x48xf32, #tpu.memory_space<vmem_shared>>) target(%dma_start3A_180 : memref<125x48xf32, #tpu.memory_space<vmem>>) offsets(%dma_start3A_183 : memref<125xi32, #tpu.memory_space<vmem>>) semaphore(%arg12 : memref<!tpu.dma_semaphore, #tpu.memory_space<semaphore_mem>>)
      }
      %scan3A_68 = arith.constant 14 : i32
      %dma_wait3A_69 = arith.constant 1 : i32
      %dma_wait3A_70 = arith.constant 0 : i32
      %dma_wait3A_71 = arith.constant 0 : i32
      %dma_wait3A_72 = tpu.memref_slice %arg9[%dma_wait3A_69, %dma_wait3A_70, %dma_wait3A_71] : memref<2x125x48xf32, #tpu.memory_space<vmem>> -> memref<1x125x48xf32, #tpu.memory_space<vmem>>
      %dma_wait3A_73 = tpu.memref_squeeze %dma_wait3A_72 : memref<1x125x48xf32, #tpu.memory_space<vmem>> -> memref<125x48xf32, #tpu.memory_space<vmem>>
      %dma_wait3A_74 = arith.constant 0 : i32
      %dma_wait3A_75 = arith.constant 0 : i32
      %dma_wait3A_76 = tpu.memref_slice %arg2[%dma_wait3A_74, %dma_wait3A_75] : memref<10240x48xf32, #tpu.memory_space<hbm>> -> memref<125x48xf32, #tpu.memory_space<hbm>>
      %dma_wait3A_77 = arith.constant 0 : i32
      %dma_wait3A_78 = arith.constant 0 : i32
      %dma_wait3A_79 = tpu.memref_slice %arg9[%dma_wait3A_69, %dma_wait3A_77, %dma_wait3A_78] : memref<2x125x48xf32, #tpu.memory_space<vmem>> -> memref<1x125x48xf32, #tpu.memory_space<vmem>>
      %dma_wait3A_80 = tpu.memref_squeeze %dma_wait3A_79 : memref<1x125x48xf32, #tpu.memory_space<vmem>> -> memref<125x48xf32, #tpu.memory_space<vmem>>
      %dma_wait3A_81 = arith.constant 0 : i32
      %dma_wait3A_82 = arith.constant 0 : i32
      %dma_wait3A_83 = tpu.memref_slice %arg2[%dma_wait3A_81, %dma_wait3A_82] : memref<10240x48xf32, #tpu.memory_space<hbm>> -> memref<125x48xf32, #tpu.memory_space<hbm>>
      tpu.wait_dma2 semaphore(%arg12 : memref<!tpu.dma_semaphore, #tpu.memory_space<semaphore_mem>>) src(%dma_wait3A_83 : memref<125x48xf32, #tpu.memory_space<hbm>>) dst(%dma_wait3A_80 : memref<125x48xf32, #tpu.memory_space<vmem>>)
      %dma_wait3A_84 = arith.constant 0 : i32
      %dma_wait3A_85 = arith.constant 0 : i32
      %dma_wait3A_86 = arith.constant 0 : i32
      %dma_wait3A_87 = tpu.memref_slice %arg9[%dma_wait3A_84, %dma_wait3A_85, %dma_wait3A_86] : memref<2x125x48xf32, #tpu.memory_space<vmem>> -> memref<1x125x48xf32, #tpu.memory_space<vmem>>
      %dma_wait3A_88 = tpu.memref_squeeze %dma_wait3A_87 : memref<1x125x48xf32, #tpu.memory_space<vmem>> -> memref<125x48xf32, #tpu.memory_space<vmem>>
      %dma_wait3A_89 = arith.constant 0 : i32
      %dma_wait3A_90 = arith.constant 0 : i32
      %dma_wait3A_91 = tpu.memref_slice %arg10[%dma_wait3A_89, %dma_wait3A_90] : memref<10240x48xf32, #tpu.memory_space<vmem_shared>> -> memref<125x48xf32, #tpu.memory_space<vmem_shared>>
      %dma_wait3A_92 = arith.constant 0 : i32
      %dma_wait3A_93 = arith.constant 0 : i32
      %dma_wait3A_94 = tpu.memref_slice %arg10[%dma_wait3A_92, %dma_wait3A_93] : memref<10240x48xf32, #tpu.memory_space<vmem_shared>> -> memref<125x48xf32, #tpu.memory_space<vmem_shared>>
      %dma_wait3A_95 = arith.constant 0 : i32
      %dma_wait3A_96 = arith.constant 0 : i32
      %dma_wait3A_97 = tpu.memref_slice %arg9[%dma_wait3A_84, %dma_wait3A_95, %dma_wait3A_96] : memref<2x125x48xf32, #tpu.memory_space<vmem>> -> memref<1x125x48xf32, #tpu.memory_space<vmem>>
      %dma_wait3A_98 = tpu.memref_squeeze %dma_wait3A_97 : memref<1x125x48xf32, #tpu.memory_space<vmem>> -> memref<125x48xf32, #tpu.memory_space<vmem>>
      tpu.wait_dma2 semaphore(%arg13 : memref<!tpu.dma_semaphore, #tpu.memory_space<semaphore_mem>>) src(%dma_wait3A_98 : memref<125x48xf32, #tpu.memory_space<vmem>>) dst(%dma_wait3A_94 : memref<125x48xf32, #tpu.memory_space<vmem_shared>>)
      %dma_start3A_99 = arith.constant 1 : i32
      %dma_start3A_100 = arith.constant 15 : i32
      %dma_start3A_101 = arith.constant 0 : i32
      %dma_start3A_102 = arith.constant 0 : i32
      %dma_start3A_103 = tpu.memref_slice %arg9[%dma_start3A_99, %dma_start3A_101, %dma_start3A_102] : memref<2x125x48xf32, #tpu.memory_space<vmem>> -> memref<1x125x48xf32, #tpu.memory_space<vmem>>
      %dma_start3A_104 = tpu.memref_squeeze %dma_start3A_103 : memref<1x125x48xf32, #tpu.memory_space<vmem>> -> memref<125x48xf32, #tpu.memory_space<vmem>>
      %dma_start3A_105 = arith.constant 0 : i32
      %dma_start3A_106 = tpu.memref_slice %arg8[%dma_start3A_100, %dma_start3A_105] : memref<16x125xi32, #tpu.memory_space<vmem>> -> memref<1x125xi32, #tpu.memory_space<vmem>>
      %dma_start3A_107 = tpu.memref_squeeze %dma_start3A_106 : memref<1x125xi32, #tpu.memory_space<vmem>> -> memref<125xi32, #tpu.memory_space<vmem>>
      %dma_start3A_108 = arith.constant 0 : i32
      %dma_start3A_109 = arith.constant 0 : i32
      %dma_start3A_110 = tpu.memref_slice %arg10[%dma_start3A_108, %dma_start3A_109] : memref<10240x48xf32, #tpu.memory_space<vmem_shared>> -> memref<10240x48xf32, #tpu.memory_space<vmem_shared>>
      tpu.enqueue_indirect_dma source(%dma_start3A_104 : memref<125x48xf32, #tpu.memory_space<vmem>>) target(%dma_start3A_110 : memref<10240x48xf32, #tpu.memory_space<vmem_shared>>) offsets(%dma_start3A_107 : memref<125xi32, #tpu.memory_space<vmem>>) semaphore(%arg13 : memref<!tpu.dma_semaphore, #tpu.memory_space<semaphore_mem>>) {add = true}
      %dma_wait3A_111 = arith.constant 1 : i32
      %dma_wait3A_112 = arith.constant 0 : i32
      %dma_wait3A_113 = arith.constant 0 : i32
      %dma_wait3A_114 = tpu.memref_slice %arg9[%dma_wait3A_111, %dma_wait3A_112, %dma_wait3A_113] : memref<2x125x48xf32, #tpu.memory_space<vmem>> -> memref<1x125x48xf32, #tpu.memory_space<vmem>>
      %dma_wait3A_115 = tpu.memref_squeeze %dma_wait3A_114 : memref<1x125x48xf32, #tpu.memory_space<vmem>> -> memref<125x48xf32, #tpu.memory_space<vmem>>
      %dma_wait3A_116 = arith.constant 0 : i32
      %dma_wait3A_117 = arith.constant 0 : i32
      %dma_wait3A_118 = tpu.memref_slice %arg10[%dma_wait3A_116, %dma_wait3A_117] : memref<10240x48xf32, #tpu.memory_space<vmem_shared>> -> memref<125x48xf32, #tpu.memory_space<vmem_shared>>
      %dma_wait3A_119 = arith.constant 0 : i32
      %dma_wait3A_120 = arith.constant 0 : i32
      %dma_wait3A_121 = tpu.memref_slice %arg10[%dma_wait3A_119, %dma_wait3A_120] : memref<10240x48xf32, #tpu.memory_space<vmem_shared>> -> memref<125x48xf32, #tpu.memory_space<vmem_shared>>
      %dma_wait3A_122 = arith.constant 0 : i32
      %dma_wait3A_123 = arith.constant 0 : i32
      %dma_wait3A_124 = tpu.memref_slice %arg9[%dma_wait3A_111, %dma_wait3A_122, %dma_wait3A_123] : memref<2x125x48xf32, #tpu.memory_space<vmem>> -> memref<1x125x48xf32, #tpu.memory_space<vmem>>
      %dma_wait3A_125 = tpu.memref_squeeze %dma_wait3A_124 : memref<1x125x48xf32, #tpu.memory_space<vmem>> -> memref<125x48xf32, #tpu.memory_space<vmem>>
      tpu.wait_dma2 semaphore(%arg13 : memref<!tpu.dma_semaphore, #tpu.memory_space<semaphore_mem>>) src(%dma_wait3A_125 : memref<125x48xf32, #tpu.memory_space<vmem>>) dst(%dma_wait3A_121 : memref<125x48xf32, #tpu.memory_space<vmem_shared>>)
    }
    %scan3A_7 = arith.constant 5 : i32
    %barrier3A_8 = arith.constant 0 : index
    tpu.barrier barrier_id(%barrier3A_8)
    "tpu.region"() ({
      %run_scoped3A = tpu.sem_alloc : memref<!tpu.dma_semaphore, #tpu.memory_space<semaphore_mem>>
      %dma_start3A = arith.constant 0 : i32
      %dma_start3A_9 = tpu.memref_slice %arg6[%arg0, %mul3A_2, %dma_start3A] : memref<2x10240x48xf32, #tpu.memory_space<hbm>> -> memref<1x640x48xf32, #tpu.memory_space<hbm>>
      %dma_start3A_10 = tpu.memref_squeeze %dma_start3A_9 : memref<1x640x48xf32, #tpu.memory_space<hbm>> -> memref<640x48xf32, #tpu.memory_space<hbm>>
      %dma_start3A_11 = arith.constant 0 : i32
      %dma_start3A_12 = tpu.memref_slice %arg10[%mul3A_2, %dma_start3A_11] : memref<10240x48xf32, #tpu.memory_space<vmem_shared>> -> memref<640x48xf32, #tpu.memory_space<vmem_shared>>
      tpu.enqueue_dma source(%dma_start3A_12 : memref<640x48xf32, #tpu.memory_space<vmem_shared>>) target(%dma_start3A_10 : memref<640x48xf32, #tpu.memory_space<hbm>>) target_semaphore(%run_scoped3A : memref<!tpu.dma_semaphore, #tpu.memory_space<semaphore_mem>>)
      %dma_wait3A = arith.constant 0 : i32
      %dma_wait3A_13 = tpu.memref_slice %arg6[%arg0, %mul3A_2, %dma_wait3A] : memref<2x10240x48xf32, #tpu.memory_space<hbm>> -> memref<1x640x48xf32, #tpu.memory_space<hbm>>
      %dma_wait3A_14 = tpu.memref_squeeze %dma_wait3A_13 : memref<1x640x48xf32, #tpu.memory_space<hbm>> -> memref<640x48xf32, #tpu.memory_space<hbm>>
      %dma_wait3A_15 = arith.constant 0 : i32
      %dma_wait3A_16 = tpu.memref_slice %arg10[%mul3A_2, %dma_wait3A_15] : memref<10240x48xf32, #tpu.memory_space<vmem_shared>> -> memref<640x48xf32, #tpu.memory_space<vmem_shared>>
      tpu.wait_dma2 semaphore(%run_scoped3A : memref<!tpu.dma_semaphore, #tpu.memory_space<semaphore_mem>>) src(%dma_wait3A_16 : memref<640x48xf32, #tpu.memory_space<vmem_shared>>) dst(%dma_wait3A_14 : memref<640x48xf32, #tpu.memory_space<hbm>>)
      tpu.yield
    }) : () -> ()
    return
  }
}

module attributes {stable_mosaic.version = 14 : i64} {
  func.func @_tc1a_body(%arg0: i32, %arg1: memref<640x128xf32, #tpu.memory_space<vmem>>, %arg2: memref<128x128xf32, #tpu.memory_space<vmem>>, %arg3: memref<1x128xf32, #tpu.memory_space<vmem>>, %arg4: memref<640x128xf32, #tpu.memory_space<vmem>>) attributes {dimension_semantics = [#tpu.dimension_semantics<arbitrary>], iteration_bounds = array<i64: 16>, scalar_prefetch = 0 : i64, scratch_operands = 0 : i64, tpu.core_type = #tpu.core_type<tc>, window_params = [{transform_indices = @transform_0, window_bounds = array<i64: 640, 128>}, {pipeline_mode = #tpu.pipeline_mode<synchronous>, transform_indices = @transform_1, window_bounds = array<i64: 128, 128>}, {pipeline_mode = #tpu.pipeline_mode<synchronous>, transform_indices = @transform_2, window_bounds = array<i64: 1, 128>}, {transform_indices = @transform_3, window_bounds = array<i64: 640, 128>}]} {
    %get3A = arith.constant 0 : index
    %get3A_0 = arith.constant 0 : index
    %get3A_1 = vector.load %arg1[%get3A, %get3A_0] : memref<640x128xf32, #tpu.memory_space<vmem>>, vector<640x128xf32>
    %get3A_2 = arith.constant 0 : index
    %get3A_3 = arith.constant 0 : index
    %get3A_4 = vector.load %arg2[%get3A_2, %get3A_3] : memref<128x128xf32, #tpu.memory_space<vmem>>, vector<128x128xf32>
    %dot_general3A = arith.constant dense<0.000000e+00> : vector<640x128xf32>
    %dot_general3A_5 = tpu.matmul %get3A_1, %get3A_4, %dot_general3A {dimension_numbers = #tpu.dot_dimension_numbers<[1], [0], [0], [1], [0, 0, 1, 1], [], []>, transpose_lhs_hint = false} : vector<640x128xf32>, vector<128x128xf32>, vector<640x128xf32> -> vector<640x128xf32>
    %get3A_6 = arith.constant 0 : index
    %get3A_7 = arith.constant 0 : index
    %get3A_8 = vector.load %arg3[%get3A_6, %get3A_7] : memref<1x128xf32, #tpu.memory_space<vmem>>, vector<1x128xf32>
    %add3A = vector.broadcast %get3A_8 : vector<1x128xf32> to vector<640x128xf32>
    %add3A_9 = arith.addf %dot_general3A_5, %add3A : vector<640x128xf32>
    %swap3A = arith.constant 0 : index
    %swap3A_10 = arith.constant 0 : index
    %swap3A_11 = vector.load %arg4[%swap3A, %swap3A_10] : memref<640x128xf32, #tpu.memory_space<vmem>>, vector<640x128xf32>
    tpu.vector_store %arg4[%swap3A, %swap3A_10], %add3A_9 {strides = array<i32>} : memref<640x128xf32, #tpu.memory_space<vmem>>, vector<640x128xf32>,
    return
  }
  func.func @transform_0(%arg0: i32) -> (i32, i32) {
    %c0_i32 = arith.constant 0 : i32
    %c0_i32_0 = arith.constant 0 : i32
    return %arg0, %c0_i32 : i32, i32
  }
  func.func @transform_1(%arg0: i32) -> (i32, i32) {
    %c0_i32 = arith.constant 0 : i32
    %c0_i32_0 = arith.constant 0 : i32
    %c0_i32_1 = arith.constant 0 : i32
    return %c0_i32, %c0_i32_0 : i32, i32
  }
  func.func @transform_2(%arg0: i32) -> (i32, i32) {
    %c0_i32 = arith.constant 0 : i32
    %c0_i32_0 = arith.constant 0 : i32
    %c0_i32_1 = arith.constant 0 : i32
    return %c0_i32, %c0_i32_0 : i32, i32
  }
  func.func @transform_3(%arg0: i32) -> (i32, i32) {
    %c0_i32 = arith.constant 0 : i32
    %c0_i32_0 = arith.constant 0 : i32
    return %arg0, %c0_i32 : i32, i32
  }
}

module attributes {stable_mosaic.version = 14 : i64} {
  func.func @_tc1_body(%arg0: i32, %arg1: memref<2x640x160xbf16, #tpu.memory_space<vmem>>, %arg2: memref<640x128xf32, #tpu.memory_space<vmem>>, %arg3: memref<128x128xf32, #tpu.memory_space<vmem>>, %arg4: memref<128x48xf32, #tpu.memory_space<vmem>>, %arg5: memref<128x48xf32, #tpu.memory_space<vmem>>, %arg6: memref<1x48xf32, #tpu.memory_space<vmem>>, %arg7: memref<640x48xf32, #tpu.memory_space<vmem>>, %arg8: memref<640x48xf32, #tpu.memory_space<vmem>>, %arg9: memref<640x16xf32, #tpu.memory_space<vmem>>) attributes {dimension_semantics = [#tpu.dimension_semantics<arbitrary>], iteration_bounds = array<i64: 16>, scalar_prefetch = 0 : i64, scratch_operands = 0 : i64, tpu.core_type = #tpu.core_type<tc>, window_params = [{transform_indices = @transform_0, window_bounds = array<i64: 2, 640, 160>}, {transform_indices = @transform_1, window_bounds = array<i64: 640, 128>}, {pipeline_mode = #tpu.pipeline_mode<synchronous>, transform_indices = @transform_2, window_bounds = array<i64: 128, 128>}, {pipeline_mode = #tpu.pipeline_mode<synchronous>, transform_indices = @transform_3, window_bounds = array<i64: 128, 48>}, {pipeline_mode = #tpu.pipeline_mode<synchronous>, transform_indices = @transform_4, window_bounds = array<i64: 128, 48>}, {pipeline_mode = #tpu.pipeline_mode<synchronous>, transform_indices = @transform_5, window_bounds = array<i64: 1, 48>}, {transform_indices = @transform_6, window_bounds = array<i64: 640, 48>}, {transform_indices = @transform_7, window_bounds = array<i64: 640, 48>}, {transform_indices = @transform_8, window_bounds = array<i64: 640, 16>}]} {
    %get3A = arith.constant 0 : index
    %get3A_0 = arith.constant 0 : index
    %get3A_1 = arith.constant 0 : index
    %get3A_2 = vector.load %arg1[%get3A, %get3A_0, %get3A_1] : memref<2x640x160xbf16, #tpu.memory_space<vmem>>, vector<1x640x160xbf16>
    %get3A_3 = vector.shape_cast %get3A_2 : vector<1x640x160xbf16> to vector<640x160xbf16>
    %convert_element_type3A = arith.extf %get3A_3 : vector<640x160xbf16> to vector<640x160xf32>
    %get3A_4 = arith.constant 1 : index
    %get3A_5 = arith.constant 0 : index
    %get3A_6 = arith.constant 0 : index
    %get3A_7 = vector.load %arg1[%get3A_4, %get3A_5, %get3A_6] : memref<2x640x160xbf16, #tpu.memory_space<vmem>>, vector<1x640x160xbf16>
    %get3A_8 = vector.shape_cast %get3A_7 : vector<1x640x160xbf16> to vector<640x160xbf16>
    %convert_element_type3A_9 = arith.extf %get3A_8 : vector<640x160xbf16> to vector<640x160xf32>
    %slice3A = vector.extract_strided_slice %convert_element_type3A {offsets = [0, 128], sizes = [640, 1], strides = [1, 1]} : vector<640x160xf32> to vector<640x1xf32>
    %slice3A_10 = vector.extract_strided_slice %convert_element_type3A_9 {offsets = [0, 128], sizes = [640, 1], strides = [1, 1]} : vector<640x160xf32> to vector<640x1xf32>
    %add3A = arith.addf %slice3A, %slice3A_10 : vector<640x1xf32>
    %max3A = arith.constant 1.000000e+00 : f32
    %max3A_11 = vector.broadcast %max3A : f32 to vector<640x1xf32>
    %max3A_12 = arith.maximumf %add3A, %max3A_11 : vector<640x1xf32>
    %div3A = arith.constant 1.000000e+00 : f32
    %div3A_13 = vector.broadcast %div3A : f32 to vector<640x1xf32>
    %div3A_14 = arith.divf %div3A_13, %max3A_12 : vector<640x1xf32>
    %slice3A_15 = vector.extract_strided_slice %convert_element_type3A {offsets = [0, 0], sizes = [640, 128], strides = [1, 1]} : vector<640x160xf32> to vector<640x128xf32>
    %slice3A_16 = vector.extract_strided_slice %convert_element_type3A_9 {offsets = [0, 0], sizes = [640, 128], strides = [1, 1]} : vector<640x160xf32> to vector<640x128xf32>
    %add3A_17 = arith.addf %slice3A_15, %slice3A_16 : vector<640x128xf32>
    %mul3A = vector.broadcast %div3A_14 : vector<640x1xf32> to vector<640x128xf32>
    %mul3A_18 = arith.mulf %add3A_17, %mul3A : vector<640x128xf32>
    %get3A_19 = arith.constant 0 : index
    %get3A_20 = arith.constant 0 : index
    %get3A_21 = vector.load %arg3[%get3A_19, %get3A_20] : memref<128x128xf32, #tpu.memory_space<vmem>>, vector<128x128xf32>
    %dot_general3A = arith.constant dense<0.000000e+00> : vector<640x128xf32>
    %dot_general3A_22 = tpu.matmul %mul3A_18, %get3A_21, %dot_general3A {dimension_numbers = #tpu.dot_dimension_numbers<[1], [0], [0], [1], [0, 0, 1, 1], [], []>, transpose_lhs_hint = false} : vector<640x128xf32>, vector<128x128xf32>, vector<640x128xf32> -> vector<640x128xf32>
    %get3A_23 = arith.constant 0 : index
    %get3A_24 = arith.constant 0 : index
    %get3A_25 = vector.load %arg2[%get3A_23, %get3A_24] : memref<640x128xf32, #tpu.memory_space<vmem>>, vector<640x128xf32>
    %add3A_26 = arith.addf %dot_general3A_22, %get3A_25 : vector<640x128xf32>
    %max3A_27 = arith.constant 0.000000e+00 : f32
    %max3A_28 = vector.broadcast %max3A_27 : f32 to vector<640x128xf32>
    %max3A_29 = arith.maximumf %add3A_26, %max3A_28 : vector<640x128xf32>
    %get3A_30 = arith.constant 0 : index
    %get3A_31 = arith.constant 0 : index
    %get3A_32 = vector.load %arg4[%get3A_30, %get3A_31] : memref<128x48xf32, #tpu.memory_space<vmem>>, vector<128x48xf32>
    %dot_general3A_33 = arith.constant dense<0.000000e+00> : vector<640x48xf32>
    %dot_general3A_34 = tpu.matmul %max3A_29, %get3A_32, %dot_general3A_33 {dimension_numbers = #tpu.dot_dimension_numbers<[1], [0], [0], [1], [0, 0, 1, 1], [], []>, transpose_lhs_hint = false} : vector<640x128xf32>, vector<128x48xf32>, vector<640x48xf32> -> vector<640x48xf32>
    %swap3A = arith.constant 0 : index
    %swap3A_35 = arith.constant 0 : index
    %swap3A_36 = vector.load %arg7[%swap3A, %swap3A_35] : memref<640x48xf32, #tpu.memory_space<vmem>>, vector<640x48xf32>
    tpu.vector_store %arg7[%swap3A, %swap3A_35], %dot_general3A_34 {strides = array<i32>} : memref<640x48xf32, #tpu.memory_space<vmem>>, vector<640x48xf32>,
    %get3A_37 = arith.constant 0 : index
    %get3A_38 = arith.constant 0 : index
    %get3A_39 = vector.load %arg5[%get3A_37, %get3A_38] : memref<128x48xf32, #tpu.memory_space<vmem>>, vector<128x48xf32>
    %dot_general3A_40 = arith.constant dense<0.000000e+00> : vector<640x48xf32>
    %dot_general3A_41 = tpu.matmul %max3A_29, %get3A_39, %dot_general3A_40 {dimension_numbers = #tpu.dot_dimension_numbers<[1], [0], [0], [1], [0, 0, 1, 1], [], []>, transpose_lhs_hint = false} : vector<640x128xf32>, vector<128x48xf32>, vector<640x48xf32> -> vector<640x48xf32>
    %get3A_42 = arith.constant 0 : index
    %get3A_43 = arith.constant 0 : index
    %get3A_44 = vector.load %arg6[%get3A_42, %get3A_43] : memref<1x48xf32, #tpu.memory_space<vmem>>, vector<1x48xf32>
    %add3A_45 = vector.broadcast %get3A_44 : vector<1x48xf32> to vector<640x48xf32>
    %add3A_46 = arith.addf %dot_general3A_41, %add3A_45 : vector<640x48xf32>
    %swap3A_47 = arith.constant 0 : index
    %swap3A_48 = arith.constant 0 : index
    %swap3A_49 = vector.load %arg8[%swap3A_47, %swap3A_48] : memref<640x48xf32, #tpu.memory_space<vmem>>, vector<640x48xf32>
    tpu.vector_store %arg8[%swap3A_47, %swap3A_48], %add3A_46 {strides = array<i32>} : memref<640x48xf32, #tpu.memory_space<vmem>>, vector<640x48xf32>,
    %broadcast_in_dim3A = vector.shape_cast %div3A_14 : vector<640x1xf32> to vector<640x1xf32>
    %broadcast_in_dim3A_50 = vector.broadcast %broadcast_in_dim3A : vector<640x1xf32> to vector<640x16xf32>
    %swap3A_51 = arith.constant 0 : index
    %swap3A_52 = arith.constant 0 : index
    %swap3A_53 = vector.load %arg9[%swap3A_51, %swap3A_52] : memref<640x16xf32, #tpu.memory_space<vmem>>, vector<640x16xf32>
    tpu.vector_store %arg9[%swap3A_51, %swap3A_52], %broadcast_in_dim3A_50 {strides = array<i32>} : memref<640x16xf32, #tpu.memory_space<vmem>>, vector<640x16xf32>,
    return
  }
  func.func @transform_0(%arg0: i32) -> (i32, i32, i32) {
    %c0_i32 = arith.constant 0 : i32
    %c0_i32_0 = arith.constant 0 : i32
    %c0_i32_1 = arith.constant 0 : i32
    return %c0_i32, %arg0, %c0_i32_0 : i32, i32, i32
  }
  func.func @transform_1(%arg0: i32) -> (i32, i32) {
    %c0_i32 = arith.constant 0 : i32
    %c0_i32_0 = arith.constant 0 : i32
    return %arg0, %c0_i32 : i32, i32
  }
  func.func @transform_2(%arg0: i32) -> (i32, i32) {
    %c0_i32 = arith.constant 0 : i32
    %c0_i32_0 = arith.constant 0 : i32
    %c0_i32_1 = arith.constant 0 : i32
    return %c0_i32, %c0_i32_0 : i32, i32
  }
  func.func @transform_3(%arg0: i32) -> (i32, i32) {
    %c0_i32 = arith.constant 0 : i32
    %c0_i32_0 = arith.constant 0 : i32
    %c0_i32_1 = arith.constant 0 : i32
    return %c0_i32, %c0_i32_0 : i32, i32
  }
  func.func @transform_4(%arg0: i32) -> (i32, i32) {
    %c0_i32 = arith.constant 0 : i32
    %c0_i32_0 = arith.constant 0 : i32
    %c0_i32_1 = arith.constant 0 : i32
    return %c0_i32, %c0_i32_0 : i32, i32
  }
  func.func @transform_5(%arg0: i32) -> (i32, i32) {
    %c0_i32 = arith.constant 0 : i32
    %c0_i32_0 = arith.constant 0 : i32
    %c0_i32_1 = arith.constant 0 : i32
    return %c0_i32, %c0_i32_0 : i32, i32
  }
  func.func @transform_6(%arg0: i32) -> (i32, i32) {
    %c0_i32 = arith.constant 0 : i32
    %c0_i32_0 = arith.constant 0 : i32
    return %arg0, %c0_i32 : i32, i32
  }
  func.func @transform_7(%arg0: i32) -> (i32, i32) {
    %c0_i32 = arith.constant 0 : i32
    %c0_i32_0 = arith.constant 0 : i32
    return %arg0, %c0_i32 : i32, i32
  }
  func.func @transform_8(%arg0: i32) -> (i32, i32) {
    %c0_i32 = arith.constant 0 : i32
    %c0_i32_0 = arith.constant 0 : i32
    return %arg0, %c0_i32 : i32, i32
  }
}

module attributes {stable_mosaic.version = 14 : i64} {
  func.func @_tc2_body(%arg0: i32, %arg1: memref<2x640x48xf32, #tpu.memory_space<vmem>>, %arg2: memref<640x48xf32, #tpu.memory_space<vmem>>, %arg3: memref<640x16xf32, #tpu.memory_space<vmem>>, %arg4: memref<1x1x640xi32, #tpu.memory_space<vmem>>, %arg5: memref<64x48xf32, #tpu.memory_space<vmem>>, %arg6: memref<64x48xf32, #tpu.memory_space<vmem>>, %arg7: memref<64x128xf32, #tpu.memory_space<vmem>>) attributes {dimension_semantics = [#tpu.dimension_semantics<arbitrary>], iteration_bounds = array<i64: 16>, scalar_prefetch = 0 : i64, scratch_operands = 2 : i64, tpu.core_type = #tpu.core_type<tc>, window_params = [{transform_indices = @transform_0, window_bounds = array<i64: 2, 640, 48>}, {transform_indices = @transform_1, window_bounds = array<i64: 640, 48>}, {transform_indices = @transform_2, window_bounds = array<i64: 640, 16>}, {transform_indices = @transform_3, window_bounds = array<i64: 1, 1, 640>}, {pipeline_mode = #tpu.pipeline_mode<synchronous>, transform_indices = @transform_4, window_bounds = array<i64: 64, 48>}]} {
    %eq3A = arith.constant 0 : i32
    %eq3A_0 = arith.cmpi eq, %arg0, %eq3A : i32
    %convert_element_type3A = arith.extui %eq3A_0 : i1 to i32
    %cond3A = arith.constant 0 : i32
    %cond3A_1 = arith.cmpi ne, %convert_element_type3A, %cond3A : i32
    scf.if %cond3A_1 {
      %broadcast_in_dim3A_69 = arith.constant 0.000000e+00 : f32
      %broadcast_in_dim3A_70 = vector.broadcast %broadcast_in_dim3A_69 : f32 to vector<64x48xf32>
      %swap3A_71 = arith.constant 0 : index
      %swap3A_72 = arith.constant 0 : index
      %swap3A_73 = vector.load %arg6[%swap3A_71, %swap3A_72] : memref<64x48xf32, #tpu.memory_space<vmem>>, vector<64x48xf32>
      tpu.vector_store %arg6[%swap3A_71, %swap3A_72], %broadcast_in_dim3A_70 {strides = array<i32>} : memref<64x48xf32, #tpu.memory_space<vmem>>, vector<64x48xf32>,
      %broadcast_in_dim3A_74 = arith.constant 0.000000e+00 : f32
      %broadcast_in_dim3A_75 = vector.broadcast %broadcast_in_dim3A_74 : f32 to vector<64x128xf32>
      %swap3A_76 = arith.constant 0 : index
      %swap3A_77 = arith.constant 0 : index
      %swap3A_78 = vector.load %arg7[%swap3A_76, %swap3A_77] : memref<64x128xf32, #tpu.memory_space<vmem>>, vector<64x128xf32>
      tpu.vector_store %arg7[%swap3A_76, %swap3A_77], %broadcast_in_dim3A_75 {strides = array<i32>} : memref<64x128xf32, #tpu.memory_space<vmem>>, vector<64x128xf32>,
    } else {
    }
    %get3A = arith.constant 0 : index
    %get3A_2 = arith.constant 0 : index
    %get3A_3 = arith.constant 0 : index
    %get3A_4 = vector.load %arg1[%get3A, %get3A_2, %get3A_3] : memref<2x640x48xf32, #tpu.memory_space<vmem>>, vector<1x640x48xf32>
    %get3A_5 = vector.shape_cast %get3A_4 : vector<1x640x48xf32> to vector<640x48xf32>
    %get3A_6 = arith.constant 1 : index
    %get3A_7 = arith.constant 0 : index
    %get3A_8 = arith.constant 0 : index
    %get3A_9 = vector.load %arg1[%get3A_6, %get3A_7, %get3A_8] : memref<2x640x48xf32, #tpu.memory_space<vmem>>, vector<1x640x48xf32>
    %get3A_10 = vector.shape_cast %get3A_9 : vector<1x640x48xf32> to vector<640x48xf32>
    %add3A = arith.addf %get3A_5, %get3A_10 : vector<640x48xf32>
    %get3A_11 = arith.constant 0 : index
    %get3A_12 = arith.constant 0 : index
    %get3A_13 = vector.load %arg3[%get3A_11, %get3A_12] : memref<640x16xf32, #tpu.memory_space<vmem>>, vector<640x1xf32>
    %mul3A = vector.broadcast %get3A_13 : vector<640x1xf32> to vector<640x48xf32>
    %mul3A_14 = arith.mulf %add3A, %mul3A : vector<640x48xf32>
    %get3A_15 = arith.constant 0 : index
    %get3A_16 = arith.constant 0 : index
    %get3A_17 = vector.load %arg2[%get3A_15, %get3A_16] : memref<640x48xf32, #tpu.memory_space<vmem>>, vector<640x48xf32>
    %add3A_18 = arith.addf %mul3A_14, %get3A_17 : vector<640x48xf32>
    %get3A_19 = arith.constant 0 : index
    %get3A_20 = arith.constant 0 : index
    %get3A_21 = arith.constant 0 : index
    %get3A_22 = vector.load %arg4[%get3A_19, %get3A_20, %get3A_21] : memref<1x1x640xi32, #tpu.memory_space<vmem>>, vector<1x1x640xi32>
    %get3A_23 = vector.shape_cast %get3A_22 : vector<1x1x640xi32> to vector<1x640xi32>
    %iota3A = tpu.iota {dimensions = array<i32: 0>} : vector<64x640xi32>
    %eq3A_24 = vector.broadcast %get3A_23 : vector<1x640xi32> to vector<64x640xi32>
    %eq3A_25 = arith.cmpi eq, %iota3A, %eq3A_24 : vector<64x640xi32>
    %convert_element_type3A_26 = arith.extui %eq3A_25 : vector<64x640xi1> to vector<64x640xi32>
    %convert_element_type3A_27 = arith.sitofp %convert_element_type3A_26 : vector<64x640xi32> to vector<64x640xf32>
    %get3A_28 = arith.constant 0 : index
    %get3A_29 = arith.constant 0 : index
    %get3A_30 = vector.load %arg6[%get3A_28, %get3A_29] : memref<64x48xf32, #tpu.memory_space<vmem>>, vector<64x48xf32>
    %dot_general3A = arith.constant dense<0.000000e+00> : vector<64x48xf32>
    %dot_general3A_31 = tpu.matmul %convert_element_type3A_27, %add3A_18, %dot_general3A {dimension_numbers = #tpu.dot_dimension_numbers<[1], [0], [0], [1], [0, 0, 1, 1], [], []>, transpose_lhs_hint = false} : vector<64x640xf32>, vector<640x48xf32>, vector<64x48xf32> -> vector<64x48xf32>
    %add3A_32 = arith.addf %get3A_30, %dot_general3A_31 : vector<64x48xf32>
    %swap3A = arith.constant 0 : index
    %swap3A_33 = arith.constant 0 : index
    %swap3A_34 = vector.load %arg6[%swap3A, %swap3A_33] : memref<64x48xf32, #tpu.memory_space<vmem>>, vector<64x48xf32>
    tpu.vector_store %arg6[%swap3A, %swap3A_33], %add3A_32 {strides = array<i32>} : memref<64x48xf32, #tpu.memory_space<vmem>>, vector<64x48xf32>,
    %get3A_35 = arith.constant 0 : index
    %get3A_36 = arith.constant 0 : index
    %get3A_37 = vector.load %arg7[%get3A_35, %get3A_36] : memref<64x128xf32, #tpu.memory_space<vmem>>, vector<64x1xf32>
    %reduce_sum3A = arith.constant dense<0.000000e+00> : vector<64xf32>
    %reduce_sum3A_38 = vector.multi_reduction <add>, %convert_element_type3A_27, %reduce_sum3A [1] : vector<64x640xf32> to vector<64xf32>
    %broadcast_in_dim3A = vector.shape_cast %reduce_sum3A_38 : vector<64xf32> to vector<64x1xf32>
    %add3A_39 = arith.addf %get3A_37, %broadcast_in_dim3A : vector<64x1xf32>
    %swap3A_40 = arith.constant 0 : index
    %swap3A_41 = arith.constant 0 : index
    %swap3A_42 = vector.load %arg7[%swap3A_40, %swap3A_41] : memref<64x128xf32, #tpu.memory_space<vmem>>, vector<64x1xf32>
    tpu.vector_store %arg7[%swap3A_40, %swap3A_41], %add3A_39 {strides = array<i32>} : memref<64x128xf32, #tpu.memory_space<vmem>>, vector<64x1xf32>,
    %get3A_43 = arith.constant 0 : index
    %get3A_44 = arith.constant 0 : index
    %get3A_45 = vector.load %arg6[%get3A_43, %get3A_44] : memref<64x48xf32, #tpu.memory_space<vmem>>, vector<64x48xf32>
    %get3A_46 = arith.constant 0 : index
    %get3A_47 = arith.constant 0 : index
    %get3A_48 = vector.load %arg7[%get3A_46, %get3A_47] : memref<64x128xf32, #tpu.memory_space<vmem>>, vector<64x1xf32>
    %max3A = arith.constant 1.000000e+00 : f32
    %max3A_49 = vector.broadcast %max3A : f32 to vector<64x1xf32>
    %max3A_50 = arith.maximumf %get3A_48, %max3A_49 : vector<64x1xf32>
    %div3A = vector.broadcast %max3A_50 : vector<64x1xf32> to vector<64x48xf32>
    %div3A_51 = arith.divf %get3A_45, %div3A : vector<64x48xf32>
    %iota3A_52 = tpu.iota {dimensions = array<i32: 1>} : vector<64x48xi32>
    %lt3A = arith.constant 40 : i32
    %lt3A_53 = vector.broadcast %lt3A : i32 to vector<64x48xi32>
    %lt3A_54 = arith.cmpi slt, %iota3A_52, %lt3A_53 : vector<64x48xi32>
    %jit3A = arith.constant 0xFF800000 : f32
    %broadcast_in_dim3A_55 = vector.broadcast %jit3A : f32 to vector<64x48xf32>
    %select_n3A = arith.select %lt3A_54, %div3A_51, %broadcast_in_dim3A_55 : vector<64x48xi1>, vector<64x48xf32>
    %reduce_max3A = arith.constant dense<0xFF800000> : vector<64xf32>
    %reduce_max3A_56 = vector.multi_reduction <maximumf>, %select_n3A, %reduce_max3A [1] : vector<64x48xf32> to vector<64xf32>
    %broadcast_in_dim3A_57 = vector.shape_cast %reduce_max3A_56 : vector<64xf32> to vector<64x1xf32>
    %sub3A = vector.broadcast %broadcast_in_dim3A_57 : vector<64x1xf32> to vector<64x48xf32>
    %sub3A_58 = arith.subf %select_n3A, %sub3A : vector<64x48xf32>
    %exp3A = math.exp %sub3A_58 : vector<64x48xf32>
    %reduce_sum3A_59 = arith.constant dense<0.000000e+00> : vector<64xf32>
    %reduce_sum3A_60 = vector.multi_reduction <add>, %exp3A, %reduce_sum3A_59 [1] : vector<64x48xf32> to vector<64xf32>
    %broadcast_in_dim3A_61 = vector.shape_cast %reduce_sum3A_60 : vector<64xf32> to vector<64x1xf32>
    %log3A = math.log %broadcast_in_dim3A_61 : vector<64x1xf32>
    %sub3A_62 = vector.broadcast %broadcast_in_dim3A_57 : vector<64x1xf32> to vector<64x48xf32>
    %sub3A_63 = arith.subf %select_n3A, %sub3A_62 : vector<64x48xf32>
    %sub3A_64 = vector.broadcast %log3A : vector<64x1xf32> to vector<64x48xf32>
    %sub3A_65 = arith.subf %sub3A_63, %sub3A_64 : vector<64x48xf32>
    %swap3A_66 = arith.constant 0 : index
    %swap3A_67 = arith.constant 0 : index
    %swap3A_68 = vector.load %arg5[%swap3A_66, %swap3A_67] : memref<64x48xf32, #tpu.memory_space<vmem>>, vector<64x48xf32>
    tpu.vector_store %arg5[%swap3A_66, %swap3A_67], %sub3A_65 {strides = array<i32>} : memref<64x48xf32, #tpu.memory_space<vmem>>, vector<64x48xf32>,
    return
  }
  func.func @transform_0(%arg0: i32) -> (i32, i32, i32) {
    %c0_i32 = arith.constant 0 : i32
    %c0_i32_0 = arith.constant 0 : i32
    %c0_i32_1 = arith.constant 0 : i32
    return %c0_i32, %arg0, %c0_i32_0 : i32, i32, i32
  }
  func.func @transform_1(%arg0: i32) -> (i32, i32) {
    %c0_i32 = arith.constant 0 : i32
    %c0_i32_0 = arith.constant 0 : i32
    return %arg0, %c0_i32 : i32, i32
  }
  func.func @transform_2(%arg0: i32) -> (i32, i32) {
    %c0_i32 = arith.constant 0 : i32
    %c0_i32_0 = arith.constant 0 : i32
    return %arg0, %c0_i32 : i32, i32
  }
  func.func @transform_3(%arg0: i32) -> (i32, i32, i32) {
    %c0_i32 = arith.constant 0 : i32
    %c0_i32_0 = arith.constant 0 : i32
    %c0_i32_1 = arith.constant 0 : i32
    return %arg0, %c0_i32, %c0_i32_0 : i32, i32, i32
  }
  func.func @transform_4(%arg0: i32) -> (i32, i32) {
    %c0_i32 = arith.constant 0 : i32
    %c0_i32_0 = arith.constant 0 : i32
    %c0_i32_1 = arith.constant 0 : i32
    return %c0_i32, %c0_i32_0 : i32, i32
  }
}

</mosaic_0001>

<sc_bundles>
// kernel: kernel.10.cloned.1.call-start
scs
__scs_entry_jumppad:
0x0: {  	(pc) =	sbr.rel $0x88, $3  }
0x1: {  	(tag) =	ssettag $0x0;
	lr =	simm.s32 $0x1  }
0x2: {  	[smem:$0x3F98] =	sst lr;
	_ =	strace $0xD0000000  }
0x3: {  	_ = 	snop  }
0x4: {  	_ = 	snop  }
0x5: {  	_ = 	snop  }
0x6: {  	_ = 	snop  }
0x7: {  	_ = 	snop  }
__scs_overlays_trampoline_lowered:
0x8: {  	[smem:$0x3FA7] =	sst s0  }
0x9: {  	[smem:$0x3FA8] =	sst s1  }
0xa: {  	[smem:$0x3FA9] =	sst s2  }
0xb: {  	[smem:$0x3FAA] =	sst s3  }
0xc: {  	[smem:$0x3FAB] =	sst s4  }
0xd: {  	[smem:$0x3FAC] =	sst s5  }
0xe: {  	[smem:$0x3FAD] =	sst s6  }
0xf: {  	[smem:$0x3FAE] =	sst s7  }
0x10: {  	[smem:$0x3FAF] =	sst s8  }
0x11: {  	[smem:$0x3FB0] =	sst s9;
	s0 =	simm.s32 @!p0 $0x0  }
0x12: {  	s1 =	sld [smem:$0x3F96];
	s0 =	simm.s32 @p0 $0x1  }
0x13: {  	[smem:$0x3FB1] =	sst s0;
	s0 =	simm.s32 @!p1 $0x0  }
0x14: {  	s2 =	sld [smem:$0x3F95];
	s0 =	simm.s32 @p1 $0x1  }
0x15: {  	[smem:$0x3FB2] =	sst s0;
	s0 =	simm.s32 @!p2 $0x0  }
0x16: {  	s3 =	sld [smem:$0x3FDB];
	s0 =	simm.s32 @p2 $0x1  }
0x17: {  	s4 =	simm.s32 $0x1BF5;
	[smem:$0x3FB4] =	sst s0  }
0x18: {  	s0 =	sld [smem:$0x3F97];
	_ =	swait.ge [sflag:s4], $0x0  }
0x19: {  	s7 =	sld [smem:$0x3F98]  }
0x1a: {  	s8 =	sadd.s32 $0xFFFFE003, lr  }
0x1b: {  	s9 =	sadd.s32 $0xFFFFFEF7, lr;
	s5 =	simm.s32 $0xFFFFFFFF;
	p2 =	slt.u32 s8, $0xFFFFF086  }
0x1c: {  	p1 =	slt.u32 s9, $0xF7A;
	s5 =	simm.s32 @!p2 $0x0  }
0x1d: {  	s5 =	simm.s32 @p1 $0x1;
	p0 =	seq.s32 s7, s2  }
0x1e: {  	s7 =	smul.u32 @!p0 $0xF7A, s2;
	p2 =	seq.s32 @!p0 s5, $0x0  }
0x1f: {  	s9 =	smul.u32 $0xF7A, s1;
	s8 =	simm.s32 @!p0 $0x1BF5;
	p2 =	por !p2, p0  }
0x20: {  	[sflag:s8] =	ssyncset.s32 @!p0 $0xFFFFF086;
	s6 =	sadd.s32 @!p0 s3, s7;
	s7 =	simm.s32 @!p0 $0x108  }
0x21: {  	s3 =	sadd.s32 s3, s9;
	s6 =	sadd.s32 @!p0 $0x88, s6;
	s7 =	simm.s32 @p2 $0x1082  }
0x22: {  	[simem:s7], [sflag:s8] =	dma.local @!p0 [hbm:s6], $0xF7A  }
0x23: {  	s9 =	sor.u32 $0xD0000000, s2;
	s6 =	simm.s32 $0x108;
	_ =	swait.ge @!p0 [sflag:s8], $0x0  }
0x24: {  	s3 =	sadd.s32 $0x88, s3;
	s6 =	simm.s32 @!p1 $0x1082;
	[sflag:s4] =	ssyncset.s32 $0xFFFFF086  }
0x25: {  	[simem:s6], [sflag:s4] =	dma.local [hbm:s3], $0xF7A  }
0x26: {  	[smem:$0x3F98] =	sst s1;
	(tag) =	ssettag s2;
	_ =	strace s9  }
0x27: {  	s1 =	sld [smem:$0x3FA8]  }
0x28: {  	s2 =	sld [smem:$0x3FA9]  }
0x29: {  	s4 =	sld [smem:$0x3FAB]  }
0x2a: {  	p0 =	seq.s32 s5, $0x0;
	s5 =	sld [smem:$0x3FAC]  }
0x2b: {  	s6 =	sld [smem:$0x3FAD]  }
0x2c: {  	s7 =	sld [smem:$0x3FAE]  }
0x2d: {  	s3 =	simm.s32 $0x108;
	s8 =	sld [smem:$0x3FAF]  }
0x2e: {  	s3 =	simm.s32 @!p0 $0x1082;
	s9 =	sld [smem:$0x3FB0]  }
0x2f: {  	lr =	sadd.s32 s0, s3;
	s0 =	sld [smem:$0x3FA7]  }
0x30: {  	s3 =	sld [smem:$0x3FAA]  }
0x31: {  	[smem:$0x3FB3] =	sst s10  }
0x32: {  	s10 =	sld [smem:$0x3FB1];
	_ =	sdelay $0x3  }
0x33: {  	p0 =	seq.s32 s10, $0x1;
	s10 =	sld [smem:$0x3FB3];
	_ =	sdelay $0x3  }
0x34: {  	[smem:$0x3FB3] =	sst s10  }
0x35: {  	s10 =	sld [smem:$0x3FB2];
	_ =	sdelay $0x3  }
0x36: {  	p1 =	seq.s32 s10, $0x1;
	s10 =	sld [smem:$0x3FB3];
	_ =	sdelay $0x3  }
0x37: {  	[smem:$0x3FB3] =	sst s10  }
0x38: {  	s10 =	sld [smem:$0x3FB4]  }
0x39: {  	_ = 	snop;
	(pc) =	sbr.ind lr, $3  }
0x3a: {  	_ = 	snop  }
0x3b: {  	_ = 	snop  }
0x3c: {  	p2 =	seq.s32 s10, $0x1;
	s10 =	sld [smem:$0x3FB3]  }
0x3d: {  	_ =	shalt  }
0x3e: {  	_ =	shalt  }
0x3f: {  	_ =	shalt  }
0x40: {  	_ =	shalt  }
0x41: {  	_ =	shalt  }
0x42: {  	_ =	shalt  }
0x43: {  	_ =	shalt  }
0x44: {  	_ =	shalt  }
0x45: {  	_ =	shalt  }
0x46: {  	_ =	shalt  }
0x47: {  	_ =	shalt  }
0x48: {  	_ =	shalt  }
0x49: {  	_ =	shalt  }
0x4a: {  	_ =	shalt  }
0x4b: {  	_ =	shalt  }
0x4c: {  	_ =	shalt  }
0x4d: {  	_ =	shalt  }
0x4e: {  	_ =	shalt  }
0x4f: {  	_ =	shalt  }
0x50: {  	_ =	shalt  }
0x51: {  	_ =	shalt  }
0x52: {  	_ =	shalt  }
0x53: {  	_ =	shalt  }
0x54: {  	_ =	shalt  }
0x55: {  	_ =	shalt  }
0x56: {  	_ =	shalt  }
0x57: {  	_ =	shalt  }
0x58: {  	_ =	shalt  }
0x59: {  	_ =	shalt  }
0x5a: {  	_ =	shalt  }
0x5b: {  	_ =	shalt  }
0x5c: {  	_ =	shalt  }
0x5d: {  	_ =	shalt  }
0x5e: {  	_ =	shalt  }
0x5f: {  	_ =	shalt  }
0x60: {  	_ =	shalt  }
0x61: {  	_ =	shalt  }
0x62: {  	_ =	shalt  }
0x63: {  	_ =	shalt  }
0x64: {  	_ =	shalt  }
0x65: {  	_ =	shalt  }
0x66: {  	_ =	shalt  }
0x67: {  	_ =	shalt  }
0x68: {  	_ =	shalt  }
0x69: {  	_ =	shalt  }
0x6a: {  	_ =	shalt  }
0x6b: {  	_ =	shalt  }
0x6c: {  	_ =	shalt  }
0x6d: {  	_ =	shalt  }
0x6e: {  	_ =	shalt  }
0x6f: {  	_ =	shalt  }
0x70: {  	_ =	shalt  }
0x71: {  	_ =	shalt  }
0x72: {  	_ =	shalt  }
0x73: {  	_ =	shalt  }
0x74: {  	_ =	shalt  }
0x75: {  	_ =	shalt  }
0x76: {  	_ =	shalt  }
0x77: {  	_ =	shalt  }
0x78: {  	_ =	shalt  }
0x79: {  	_ =	shalt  }
0x7a: {  	_ =	shalt  }
0x7b: {  	_ =	shalt  }
0x7c: {  	_ =	shalt  }
0x7d: {  	_ =	shalt  }
0x7e: {  	_ =	shalt  }
0x7f: {  	_ =	shalt  }
0x80: {  	_ =	shalt  }
0x81: {  	_ =	shalt  }
0x82: {  	_ =	shalt  }
0x83: {  	_ =	shalt  }
0x84: {  	_ =	shalt  }
0x85: {  	_ =	shalt  }
0x86: {  	_ =	shalt  }
0x87: {  	_ =	shalt  }
.Lfunc_end0:
.L_simem_size_0:
called_computation.1_lowered:
.L_overlay_start_0:
0x88: {  	s2 =	sld [smem:$0x3FD9]  }
0x89: {  	s3 =	sld [smem:$0x3FFE];
	_ =	sdelay $0x1  }
0x8a: {  	s1 =	srdreg.scid  }
0x8b: {  	s0 =	sand.u32 $0x1, s1  }
0x8c: {  	s16 =	sshll.u32 s0, $0xA;
	s2 =	sadd.s32 s3, s2  }
0x8d: {  	s2 =	sadd.s32 s2, s16  }
0x8e: {  	[smem:$0x3FBF] =	sst s2  }
0x8f: {  	_ = 	snop  }
0x90: {  	(tm) =	ssettm $0x1  }
0x91: {  	s17 =	sld [smem:$0x3FFB];
	_ =	sdelay $0x3  }
0x92: {  	_ =	strace s17  }
0x93: {  	s2 =	sld [smem:$0x3FFC];
	_ =	sdelay $0x3  }
0x94: {  	_ =	strace s2  }
0x95: {  	s2 =	sld [smem:$0x3FFD];
	_ =	sdelay $0x3  }
0x96: {  	_ =	strace s2  }
0x97: {  	_ =	strace $0x8FFFFFFF  }
0x98: {  	s18 =	sld [smem:$0x3FDB];
	_ =	sdelay $0x1  }
0x99: {  	s19 =	simm.s32 $_scs_section_size  }
0x9a: {  	s4 =	simm.s32 $_size__tile_overlayer_lowered;
	s5 =	simm.s32 $_tile_overlayer_lowered  }
0x9b: {  	s22 =	simm.s32 $0x1BFF;
	s21 =	sshll.u32 s5, $0x1;
	s2 =	sadd.s32 s19, s18  }
0x9c: {  	s6 =	simm.s32 $0x0;
	s20 =	sshll.u32 s4, $0x1;
	s4 =	sadd.s32 s21, s2  }
0x9d: {  	[timem:s6], [sflag:s22] =	dma.local [hbm:s4], s20  }
0x9e: {  	_ =	swait.ge [sflag:s22], s20  }
0x9f: {  	s3 =	ssub.s32 $0x0, s20;
	[sflag:s22] =	ssyncset.done $0x0  }
0xa0: {  	[sflag:s22] =	ssyncadd.s32 s3;
	_ =	sdelay $0x1  }
0xa1: {  	s23 =	simm.s32 $0x1B8B  }
0xa2: {  	_ =	swait.ge [sflag:s23], $0x1  }
0xa3: {  	[sflag:s23] =	ssyncset.done $0x0  }
0xa4: {  	s25 =	simm.s32 $0x1B8E;
	s24 =	sld [smem:$0x3FFE];
	[sflag:s23] =	ssyncadd.s32 $0xFFFFFFFF  }
0xa5: {  	s26 =	simm.s32 $execute0_lowered;
	[smem:$0x3FD2] =	sst s25  }
0xa6: {  	s4 =	sshll.u32 s26, $0x1;
	_ =	strace $0x80000049;
	[dreg:$0x1] =	wrdreg $0xFFFFFFFF  }
0xa7: {  	s28 =	simm.s32 $_size_execute0_lowered;
	s2 =	sadd.s32 s2, s4;
	[dreg:$0x0] =	wrdreg $0x0  }
0xa8: {  	s4 =	sshll.u32 s28, $0x1;
	[dreg:$0x2] =	wrdreg s2  }
0xa9: {  	[dreg:$0x3] =	wrdreg s4  }
0xaa: {  	[dreg:$0x4] =	wrdreg $0xC0  }
0xab: {  	_ =	task [dreg:s6], $0x5FFFF  }
0xac: {  	[dreg:$0x1] =	wrdreg $0xFFFFFFFF  }
0xad: {  	[dreg:$0x0] =	wrdreg $0x60  }
0xae: {  	[dreg:$0x2] =	wrdreg s24  }
0xaf: {  	[dreg:$0x3] =	wrdreg $0x3EE00  }
0xb0: {  	[dreg:$0x4] =	wrdreg $0xB6E00  }
0xb1: {  	[dreg:$0x5] =	wrdreg $0x9  }
0xb2: {  	_ =	task.clear_ibuf [dreg:s6], $0x6FFFF;
	_ =	strace $0x90000049  }
0xb3: {  	s29 =	simm.s32 $0x9;
	_ =	strace $0x8000004B  }
0xb4: {  	_ =	swait.ge [sflag:s29], $0x1  }
0xb5: {  	[sflag:s29] =	ssyncadd.s32 $0xFFFFFFFF  }
0xb6: {  	_ =	strace $0x9000004B  }
0xb7: {  	_ =	sfence  }
0xb8: {  	s30 =	sld [smem:$0x0];
	_ =	sdelay $0x2  }
0xb9: {  	s31 =	sshll.u32 s1, $0xD;
	s1 =	sshrl.u32 s1, $0x2  }
0xba: {  	s3 =	sand.u32 $0x4000, s31;
	s1 =	sadd.s32 s1, s30  }
0xbb: {  	s0 =	sor.u32 s3, s0;
	s1 =	sshll.u32 s1, $0x11  }
0xbc: {  	s0 =	sor.u32 s1, s0  }
0xbd: {  	s0 =	sadd.s32 $0x8F2B, s0  }
0xbe: {  	[sflag:s0] =	ssyncadd.remote.s32 $0x1  }
0xbf: {  	_ =	sfence.sel $0xFFFF  }
0xc0: {  	[dreg:$0x0] =	wrdreg $0xFFFFFFFF;
	(pc) =	sbr.abs _section_cstart, $3  }
0xc1: {  	[dreg:$0x1] =	wrdreg $0xFFFFFFFF  }
0xc2: {  	_ =	task.clear_ibuf [dreg:s6], $0x2FFFF;
	_ =	strace $0x9FFFFFFF  }
0xc3: {  	(tm) =	ssettm $0x7FFFFFFF  }
tec
execute0_lowered:
.L_overlay_start_1:
0x0: {  	(tag) =	ssettag $0x1  }
0x1: {  	s8 =	rddreg [dreg:$0x0]  }
0x2: {  	s2 =	rddreg [dreg:$0x1]  }
0x3: {  	s3 =	rddreg [dreg:$0x2];
	s0 =	stileid.u32  }
0x4: {  	s5 =	srdreg.scid;
	s1 =	rddreg [dreg:$0x3]  }
0x5: {  	s4 =	simm.s32 $0x0;
	s16 =	simm.s32 $0x800;
	s17 =	simm.s32 $0x7D  }
0x6: {  	s18 =	simm.s32 $0x1000;
	s19 =	simm.s32 $0x80;
	s20 =	simm.s32 $0x2770  }
0x7: {  	s21 =	simm.s32 $0x1;
	s22 =	simm.s32 $0x2;
	s23 =	simm.s32 $0xF80  }
0x8: {  	s24 =	simm.s32 $0x0;
	s9 =	smul.u32 $0x7800, s0;
	s10 =	sand.u32 $0x1, s5  }
0x9: {  	[smem:$0x7FF] =	sst s4;
	s5 =	sadd.s32 $0xBC00, s8;
	s6 =	sadd.s32 $0x1C00, s8  }
0xa: {  	s31 =	sshll.u32 s0, $0x6;
	s7 =	smul.u32 $0x78000, s10;
	_ =	strace $0x8000004A  }
0xb: {  	s13 =	ssub.s32 $0x2, s10;
	s29 =	sshll.u32 s10, $0x4;
	s28 =	sshrl.u32 s9, $0x3  }
0xc: {  	s14 =	sshrl.u32 s13, $0x1;
	s10 =	sor.u32 s0, s29;
	s30 =	sadd.s32 s9, s2  }
0xd: {  	s15 =	sadd.s32 s9, s3;
	s11 =	sadd.s32 s28, s8;
	s12 =	sadd.s32 s9, s7  }
0xe: {  	s7 =	sadd.s32 $0x4CC00, s8;
	s13 =	ssub.s32 s13, s14;
	s10 =	smul.u32 $0x2800, s10  }
0xf: {  	s14 =	simm.s32 $0x3;
	s15 =	sshrl.u32 s15, $0x3;
	s12 =	sshrl.u32 s12, $0x3  }
0x10: {  	s9 =	sadd.s32 $0x3DC00, s11;
	s12 =	sadd.s32 s12, s8;
	s8 =	sor.u32 $0x1C03, s31  }
0x11: {  	s11 =	sadd.s32 $0x4DC00, s12;
	s12 =	smax.u32 s13, $0x1;
	s13 =	sshrl.u32 s30, $0x3  }
.LBB2_1:
0x12: {  	[spmem:s13], [sflag:s8] =	dma.local [hbm:s7], $0xF00  }
0x13: {  	_ =	swait.ge [sflag:s14], $0xF00  }
0x14: {  	[sflag:s14] =	ssyncset.done $0x0  }
0x15: {  	[sflag:s14] =	ssyncadd.s32 $0xFFFFF100  }
0x16: {  	[spmem:s15], [sflag:s8] =	dma.local [hbm:s9], $0xF00  }
0x17: {  	_ =	swait.ge [sflag:s14], $0xF00  }
0x18: {  	[sflag:s14] =	ssyncset.done $0x0  }
0x19: {  	[sflag:s14] =	ssyncadd.s32 $0xFFFFF100  }
0x1a: {  	s25 =	simm.s32 $0x0;
	[bflag:$0x0] =	sbarrier.arrive $0xFFFF  }
.LBB2_2:
0x1b: {  	s26 =	sshll.u32 s25, $0xB  }
0x1c: {  	s26 =	sadd.s32 s10, s26  }
0x1d: {  	s26 =	sshrl.u32 s26, $0x3  }
0x1e: {  	s28 =	sadd.s32 s5, s26  }
0x1f: {  	[tilespmem:s4], [sflag:$0x3] =	stream.linear.gather [hbm4b:s28+s4], $0x800, $0x38;
	[tilespmem:$0x12EE0] =	vst v63  }
0x20: {  	_ =	swait.ge [sflag:s14], $0x800  }
0x21: {  	[sflag:s14] =	ssyncset.done $0x0  }
0x22: {  	s26 =	sadd.s32 s6, s26;
	[sflag:s14] =	ssyncadd.s32 $0xFFFFF800  }
0x23: {  	[tilespmem:s16], [sflag:$0x3] =	stream.linear.gather [hbm4b:s26+s4], $0x800, $0x38;
	[tilespmem:$0x12EE0] =	vst v63  }
0x24: {  	_ =	swait.ge [sflag:s14], $0x800  }
0x25: {  	[sflag:s14] =	ssyncset.done $0x0  }
0x26: {  	s31 =	simm.s32 $0x1;
	[sflag:s14] =	ssyncadd.s32 $0xFFFFF800  }
0x27: {  	[tilespmem:s18], [sflag:$0x1] =	stream.indirect.gather [spmem:s3], $0x30, s4, s17, $0xb8;
	[tilespmem:$0x12EE0] =	vst v63  }
0x28: {  	_ =	swait.ge [sflag:s31], $0x1770  }
0x29: {  	[sflag:s31] =	ssyncset.done $0x0  }
0x2a: {  	[sflag:s31] =	ssyncadd.s32 $0xFFFFE890  }
0x2b: {  	[spmem:s2] =	stream.indirect.scatter.add.f32 [tilespmem:s18], [sflag:$0x2], $0x30, s16, s17, $0xb8;
	[tilespmem:$0x12EE0] =	vst v63  }
0x2c: {  	_ = 	snop  }
0x2d: {  	[tilespmem:s20], [sflag:$0x1] =	stream.indirect.gather [spmem:s3], $0x30, s19, s17, $0xb8;
	[tilespmem:$0x12EE0] =	vst v63  }
0x2e: {  	_ =	swait.ge [sflag:s21], $0x1770  }
0x2f: {  	s26 =	sand.u32 $0x1, s31;
	[sflag:s21] =	ssyncset.done $0x0  }
0x30: {  	s28 =	sxor.u32 $0x1, s26;
	s29 =	smul.u32 $0x5DC0, s26;
	[sflag:s21] =	ssyncadd.s32 $0xFFFFE890  }
0x31: {  	s28 =	smul.u32 $0x5DC0, s28;
	_ =	swait.ge [sflag:s22], $0x1770  }
0x32: {  	s26 =	simm.s32 $0x880;
	s29 =	sshrl.u32 s29, $0x2;
	[sflag:s22] =	ssyncset.done $0x0  }
0x33: {  	s29 =	sadd.s32 $0x1000, s29;
	s30 =	sshrl.u32 s28, $0x2;
	[sflag:s22] =	ssyncadd.s32 $0xFFFFE890  }
0x34: {  	[spmem:s2] =	stream.indirect.scatter.add.f32 [tilespmem:s29], [sflag:$0x2], $0x30, s26, s17, $0xb8;
	[tilespmem:$0x12EE0] =	vst v63  }
0x35: {  	s28 =	simm.s32 $0x100;
	s29 =	sadd.s32 $0x1000, s30  }
0x36: {  	[tilespmem:s29], [sflag:$0x1] =	stream.indirect.gather [spmem:s3], $0x30, s28, s17, $0xb8;
	[tilespmem:$0x12EE0] =	vst v63  }
0x37: {  	s29 =	simm.s32 $0x2  }
.LBB2_3:
0x38: {  	_ =	swait.ge [sflag:s21], $0x1770;
	s28 =	sadd.s32 $0x80, s28;
	s26 =	sadd.s32 $0x80, s26  }
0x39: {  	s30 =	sand.u32 $0x1, s29;
	p0 =	sne.s32 s29, $0xE;
	[sflag:s21] =	ssyncset.done $0x0  }
0x3a: {  	s31 =	sxor.u32 $0x1, s30;
	s30 =	smul.u32 $0x5DC0, s30;
	[sflag:s21] =	ssyncadd.s32 $0xFFFFE890  }
0x3b: {  	s29 =	sadd.s32 $0x1, s29;
	s31 =	smul.u32 $0x5DC0, s31;
	_ =	swait.ge [sflag:s22], $0x1770  }
.Ltmp0:
0x3c: {  	s30 =	sshrl.u32 s30, $0x2;
	[sflag:s22] =	ssyncset.done $0x0;
	(pc) =	sbr.rel @p0 .LBB2_3-.Ltmp0, $4  }
0x3d: {  	s30 =	sadd.s32 $0x1000, s30;
	s31 =	sshrl.u32 s31, $0x2;
	[sflag:s22] =	ssyncadd.s32 $0xFFFFE890  }
0x3e: {  	[spmem:s2] =	stream.indirect.scatter.add.f32 [tilespmem:s30], [sflag:$0x2], $0x30, s26, s17, $0xb8;
	[tilespmem:$0x12EE0] =	vst v63  }
0x3f: {  	s30 =	sadd.s32 $0x1000, s31  }
0x40: {  	[tilespmem:s30], [sflag:$0x1] =	stream.indirect.gather [spmem:s3], $0x30, s28, s17, $0xb8;
	[tilespmem:$0x12EE0] =	vst v63  }
0x41: {  	_ =	swait.ge [sflag:s21], $0x1770  }
0x42: {  	[sflag:s21] =	ssyncset.done $0x0  }
0x43: {  	[sflag:s21] =	ssyncadd.s32 $0xFFFFE890  }
0x44: {  	s25 =	sadd.s32 $0x1, s25;
	_ =	swait.ge [sflag:s22], $0x1770  }
0x45: {  	p0 =	sne.s32 s25, $0x5;
	[sflag:s22] =	ssyncset.done $0x0  }
.Ltmp1:
0x46: {  	[sflag:s22] =	ssyncadd.s32 $0xFFFFE890;
	(pc) =	sbr.rel @p0 .LBB2_2-.Ltmp1, $4  }
0x47: {  	[spmem:s2] =	stream.indirect.scatter.add.f32 [tilespmem:s20], [sflag:$0x2], $0x30, s23, s17, $0xb8;
	[tilespmem:$0x12EE0] =	vst v63  }
0x48: {  	_ =	swait.ge [sflag:s22], $0x1770  }
0x49: {  	[sflag:s22] =	ssyncset.done $0x0  }
0x4a: {  	[sflag:s22] =	ssyncadd.s32 $0xFFFFE890  }
0x4b: {  	s24 =	sadd.s32 $0x1, s24  }
0x4c: {  	p0 =	sne.s32 s24, s12  }
.Ltmp2:
0x4d: {  	[bflag:$0x0] =	sbarrier.arrive $0xFFFF;
	(pc) =	sbr.rel @p0 .LBB2_1-.Ltmp2, $4  }
0x4e: {  	[hbm:s11], [sflag:s8] =	dma.local [spmem:s13], $0xF00  }
0x4f: {  	_ =	swait.ge [sflag:s14], $0xF00  }
0x50: {  	[sflag:s14] =	ssyncset.done $0x0  }
0x51: {  	[sflag:s14] =	ssyncadd.s32 $0xFFFFF100  }
0x52: {  	_ =	sfence.sel $0x180000  }
0x53: {  	[bflag:$0x0] =	sbarrier.arrive $0xFFFF  }
0x54: {  	p0 =	sne.s32 s0, $0x0;
	_ =	strace $0x9000004A  }
0x55: {  	s0 =	sadd.s32 @!p0 $0x100000, s1;
	[bflag:$0x2] =	sbarrier.arrive $0xFFFF  }
0x56: {  	[sflag:s0] =	ssyncadd.tile.s32 @!p0 $0x1;
	_ =	shalt  }
.Lfunc_end2:
_tile_overlayer_lowered:
.L_overlay_start_2:
0x57: {  	(tag) =	ssettag $0x2  }
0x58: {  	s0 =	rddreg [dreg:$0x0];
	s2 =	stileid.u32  }
0x59: {  	s1 =	rddreg [dreg:$0x1];
	p0 =	sne.s32 s2, $0x0  }
0x5a: {  	s3 =	rddreg [dreg:$0x2];
	[bflag:$0x3] =	sbarrier.arrive $0xFFFF;
	s2 =	simm.s32 @!p0 $0x1C03  }
0x5b: {  	[timem:s3], [sflag:s2] =	dma.local @!p0 [hbm:s0], s1  }
0x5c: {  	s0 =	simm.s32 @!p0 $0x3  }
0x5d: {  	_ =	swait.ge @!p0 [sflag:s0], s1  }
0x5e: {  	s1 =	ssub.s32 @!p0 $0x0, s1;
	[sflag:s0] =	ssyncset.done @!p0 $0x0  }
0x5f: {  	[sflag:s0] =	ssyncadd.s32 @!p0 s1  }
0x60: {  	[bflag:$0x3] =	sbarrier.arrive $0xFFFF  }
0x61: {  	_ =	shalt  }

// kernel: kernel.7.cloned.1.call-start
scs
__scs_entry_jumppad:
0x0: {  	(pc) =	sbr.rel $0x88, $3  }
0x1: {  	(tag) =	ssettag $0x0;
	lr =	simm.s32 $0x1  }
0x2: {  	[smem:$0x3F98] =	sst lr;
	_ =	strace $0xD0000000  }
0x3: {  	_ = 	snop  }
0x4: {  	_ = 	snop  }
0x5: {  	_ = 	snop  }
0x6: {  	_ = 	snop  }
0x7: {  	_ = 	snop  }
__scs_overlays_trampoline_lowered:
0x8: {  	[smem:$0x3FA7] =	sst s0  }
0x9: {  	[smem:$0x3FA8] =	sst s1  }
0xa: {  	[smem:$0x3FA9] =	sst s2  }
0xb: {  	[smem:$0x3FAA] =	sst s3  }
0xc: {  	[smem:$0x3FAB] =	sst s4  }
0xd: {  	[smem:$0x3FAC] =	sst s5  }
0xe: {  	[smem:$0x3FAD] =	sst s6  }
0xf: {  	[smem:$0x3FAE] =	sst s7  }
0x10: {  	[smem:$0x3FAF] =	sst s8  }
0x11: {  	[smem:$0x3FB0] =	sst s9;
	s0 =	simm.s32 @!p0 $0x0  }
0x12: {  	s1 =	sld [smem:$0x3F96];
	s0 =	simm.s32 @p0 $0x1  }
0x13: {  	[smem:$0x3FB1] =	sst s0;
	s0 =	simm.s32 @!p1 $0x0  }
0x14: {  	s2 =	sld [smem:$0x3F95];
	s0 =	simm.s32 @p1 $0x1  }
0x15: {  	[smem:$0x3FB2] =	sst s0;
	s0 =	simm.s32 @!p2 $0x0  }
0x16: {  	s3 =	sld [smem:$0x3FDB];
	s0 =	simm.s32 @p2 $0x1  }
0x17: {  	s4 =	simm.s32 $0x1BF5;
	[smem:$0x3FB4] =	sst s0  }
0x18: {  	s0 =	sld [smem:$0x3F97];
	_ =	swait.ge [sflag:s4], $0x0  }
0x19: {  	s7 =	sld [smem:$0x3F98]  }
0x1a: {  	s8 =	sadd.s32 $0xFFFFE003, lr  }
0x1b: {  	s9 =	sadd.s32 $0xFFFFFEF7, lr;
	s5 =	simm.s32 $0xFFFFFFFF;
	p2 =	slt.u32 s8, $0xFFFFF086  }
0x1c: {  	p1 =	slt.u32 s9, $0xF7A;
	s5 =	simm.s32 @!p2 $0x0  }
0x1d: {  	s5 =	simm.s32 @p1 $0x1;
	p0 =	seq.s32 s7, s2  }
0x1e: {  	s7 =	smul.u32 @!p0 $0xF7A, s2;
	p2 =	seq.s32 @!p0 s5, $0x0  }
0x1f: {  	s9 =	smul.u32 $0xF7A, s1;
	s8 =	simm.s32 @!p0 $0x1BF5;
	p2 =	por !p2, p0  }
0x20: {  	[sflag:s8] =	ssyncset.s32 @!p0 $0xFFFFF086;
	s6 =	sadd.s32 @!p0 s3, s7;
	s7 =	simm.s32 @!p0 $0x108  }
0x21: {  	s3 =	sadd.s32 s3, s9;
	s6 =	sadd.s32 @!p0 $0x88, s6;
	s7 =	simm.s32 @p2 $0x1082  }
0x22: {  	[simem:s7], [sflag:s8] =	dma.local @!p0 [hbm:s6], $0xF7A  }
0x23: {  	s9 =	sor.u32 $0xD0000000, s2;
	s6 =	simm.s32 $0x108;
	_ =	swait.ge @!p0 [sflag:s8], $0x0  }
0x24: {  	s3 =	sadd.s32 $0x88, s3;
	s6 =	simm.s32 @!p1 $0x1082;
	[sflag:s4] =	ssyncset.s32 $0xFFFFF086  }
0x25: {  	[simem:s6], [sflag:s4] =	dma.local [hbm:s3], $0xF7A  }
0x26: {  	[smem:$0x3F98] =	sst s1;
	(tag) =	ssettag s2;
	_ =	strace s9  }
0x27: {  	s1 =	sld [smem:$0x3FA8]  }
0x28: {  	s2 =	sld [smem:$0x3FA9]  }
0x29: {  	s4 =	sld [smem:$0x3FAB]  }
0x2a: {  	p0 =	seq.s32 s5, $0x0;
	s5 =	sld [smem:$0x3FAC]  }
0x2b: {  	s6 =	sld [smem:$0x3FAD]  }
0x2c: {  	s7 =	sld [smem:$0x3FAE]  }
0x2d: {  	s3 =	simm.s32 $0x108;
	s8 =	sld [smem:$0x3FAF]  }
0x2e: {  	s3 =	simm.s32 @!p0 $0x1082;
	s9 =	sld [smem:$0x3FB0]  }
0x2f: {  	lr =	sadd.s32 s0, s3;
	s0 =	sld [smem:$0x3FA7]  }
0x30: {  	s3 =	sld [smem:$0x3FAA]  }
0x31: {  	[smem:$0x3FB3] =	sst s10  }
0x32: {  	s10 =	sld [smem:$0x3FB1];
	_ =	sdelay $0x3  }
0x33: {  	p0 =	seq.s32 s10, $0x1;
	s10 =	sld [smem:$0x3FB3];
	_ =	sdelay $0x3  }
0x34: {  	[smem:$0x3FB3] =	sst s10  }
0x35: {  	s10 =	sld [smem:$0x3FB2];
	_ =	sdelay $0x3  }
0x36: {  	p1 =	seq.s32 s10, $0x1;
	s10 =	sld [smem:$0x3FB3];
	_ =	sdelay $0x3  }
0x37: {  	[smem:$0x3FB3] =	sst s10  }
0x38: {  	s10 =	sld [smem:$0x3FB4]  }
0x39: {  	_ = 	snop;
	(pc) =	sbr.ind lr, $3  }
0x3a: {  	_ = 	snop  }
0x3b: {  	_ = 	snop  }
0x3c: {  	p2 =	seq.s32 s10, $0x1;
	s10 =	sld [smem:$0x3FB3]  }
0x3d: {  	_ =	shalt  }
0x3e: {  	_ =	shalt  }
0x3f: {  	_ =	shalt  }
0x40: {  	_ =	shalt  }
0x41: {  	_ =	shalt  }
0x42: {  	_ =	shalt  }
0x43: {  	_ =	shalt  }
0x44: {  	_ =	shalt  }
0x45: {  	_ =	shalt  }
0x46: {  	_ =	shalt  }
0x47: {  	_ =	shalt  }
0x48: {  	_ =	shalt  }
0x49: {  	_ =	shalt  }
0x4a: {  	_ =	shalt  }
0x4b: {  	_ =	shalt  }
0x4c: {  	_ =	shalt  }
0x4d: {  	_ =	shalt  }
0x4e: {  	_ =	shalt  }
0x4f: {  	_ =	shalt  }
0x50: {  	_ =	shalt  }
0x51: {  	_ =	shalt  }
0x52: {  	_ =	shalt  }
0x53: {  	_ =	shalt  }
0x54: {  	_ =	shalt  }
0x55: {  	_ =	shalt  }
0x56: {  	_ =	shalt  }
0x57: {  	_ =	shalt  }
0x58: {  	_ =	shalt  }
0x59: {  	_ =	shalt  }
0x5a: {  	_ =	shalt  }
0x5b: {  	_ =	shalt  }
0x5c: {  	_ =	shalt  }
0x5d: {  	_ =	shalt  }
0x5e: {  	_ =	shalt  }
0x5f: {  	_ =	shalt  }
0x60: {  	_ =	shalt  }
0x61: {  	_ =	shalt  }
0x62: {  	_ =	shalt  }
0x63: {  	_ =	shalt  }
0x64: {  	_ =	shalt  }
0x65: {  	_ =	shalt  }
0x66: {  	_ =	shalt  }
0x67: {  	_ =	shalt  }
0x68: {  	_ =	shalt  }
0x69: {  	_ =	shalt  }
0x6a: {  	_ =	shalt  }
0x6b: {  	_ =	shalt  }
0x6c: {  	_ =	shalt  }
0x6d: {  	_ =	shalt  }
0x6e: {  	_ =	shalt  }
0x6f: {  	_ =	shalt  }
0x70: {  	_ =	shalt  }
0x71: {  	_ =	shalt  }
0x72: {  	_ =	shalt  }
0x73: {  	_ =	shalt  }
0x74: {  	_ =	shalt  }
0x75: {  	_ =	shalt  }
0x76: {  	_ =	shalt  }
0x77: {  	_ =	shalt  }
0x78: {  	_ =	shalt  }
0x79: {  	_ =	shalt  }
0x7a: {  	_ =	shalt  }
0x7b: {  	_ =	shalt  }
0x7c: {  	_ =	shalt  }
0x7d: {  	_ =	shalt  }
0x7e: {  	_ =	shalt  }
0x7f: {  	_ =	shalt  }
0x80: {  	_ =	shalt  }
0x81: {  	_ =	shalt  }
0x82: {  	_ =	shalt  }
0x83: {  	_ =	shalt  }
0x84: {  	_ =	shalt  }
0x85: {  	_ =	shalt  }
0x86: {  	_ =	shalt  }
0x87: {  	_ =	shalt  }
.Lfunc_end0:
.L_simem_size_0:
called_computation_lowered:
.L_overlay_start_0:
0x88: {  	s2 =	sld [smem:$0x3FD9]  }
0x89: {  	s3 =	sld [smem:$0x3FFE];
	_ =	sdelay $0x1  }
0x8a: {  	s1 =	srdreg.scid  }
0x8b: {  	s0 =	sand.u32 $0x1, s1  }
0x8c: {  	s16 =	sshll.u32 s0, $0xA;
	s2 =	sadd.s32 s3, s2  }
0x8d: {  	s2 =	sadd.s32 s2, s16  }
0x8e: {  	[smem:$0x3FBF] =	sst s2  }
0x8f: {  	_ = 	snop  }
0x90: {  	(tm) =	ssettm $0x1  }
0x91: {  	s17 =	sld [smem:$0x3FFB];
	_ =	sdelay $0x3  }
0x92: {  	_ =	strace s17  }
0x93: {  	s2 =	sld [smem:$0x3FFC];
	_ =	sdelay $0x3  }
0x94: {  	_ =	strace s2  }
0x95: {  	s2 =	sld [smem:$0x3FFD];
	_ =	sdelay $0x3  }
0x96: {  	_ =	strace s2  }
0x97: {  	_ =	strace $0x8FFFFFFF  }
0x98: {  	s18 =	sld [smem:$0x3FDB];
	_ =	sdelay $0x1  }
0x99: {  	s19 =	simm.s32 $_scs_section_size  }
0x9a: {  	s4 =	simm.s32 $_size__tile_overlayer_lowered;
	s5 =	simm.s32 $_tile_overlayer_lowered  }
0x9b: {  	s22 =	simm.s32 $0x1BFF;
	s21 =	sshll.u32 s5, $0x1;
	s2 =	sadd.s32 s19, s18  }
0x9c: {  	s6 =	simm.s32 $0x0;
	s20 =	sshll.u32 s4, $0x1;
	s4 =	sadd.s32 s21, s2  }
0x9d: {  	[timem:s6], [sflag:s22] =	dma.local [hbm:s4], s20  }
0x9e: {  	_ =	swait.ge [sflag:s22], s20  }
0x9f: {  	s3 =	ssub.s32 $0x0, s20;
	[sflag:s22] =	ssyncset.done $0x0  }
0xa0: {  	[sflag:s22] =	ssyncadd.s32 s3;
	_ =	sdelay $0x1  }
0xa1: {  	s23 =	simm.s32 $0x1B8B  }
0xa2: {  	_ =	swait.ge [sflag:s23], $0x1  }
0xa3: {  	[sflag:s23] =	ssyncset.done $0x0  }
0xa4: {  	s25 =	simm.s32 $0x1B8E;
	s24 =	sld [smem:$0x3FFE];
	[sflag:s23] =	ssyncadd.s32 $0xFFFFFFFF  }
0xa5: {  	s26 =	simm.s32 $execute0_lowered;
	[smem:$0x3FD2] =	sst s25  }
0xa6: {  	s4 =	sshll.u32 s26, $0x1;
	_ =	strace $0x80000046;
	[dreg:$0x1] =	wrdreg $0xFFFFFFFF  }
0xa7: {  	s28 =	simm.s32 $_size_execute0_lowered;
	s2 =	sadd.s32 s2, s4;
	[dreg:$0x0] =	wrdreg $0x0  }
0xa8: {  	s4 =	sshll.u32 s28, $0x1;
	[dreg:$0x2] =	wrdreg s2  }
0xa9: {  	[dreg:$0x3] =	wrdreg s4  }
0xaa: {  	[dreg:$0x4] =	wrdreg $0xC0  }
0xab: {  	_ =	task [dreg:s6], $0x5FFFF  }
0xac: {  	[dreg:$0x1] =	wrdreg $0xFFFFFFFF  }
0xad: {  	[dreg:$0x0] =	wrdreg $0x60  }
0xae: {  	[dreg:$0x2] =	wrdreg s24  }
0xaf: {  	[dreg:$0x3] =	wrdreg $0x5E200  }
0xb0: {  	[dreg:$0x4] =	wrdreg $0x126200  }
0xb1: {  	[dreg:$0x5] =	wrdreg $0x9  }
0xb2: {  	_ =	task.clear_ibuf [dreg:s6], $0x6FFFF;
	_ =	strace $0x90000046  }
0xb3: {  	s29 =	simm.s32 $0x9;
	_ =	strace $0x80000048  }
0xb4: {  	_ =	swait.ge [sflag:s29], $0x1  }
0xb5: {  	[sflag:s29] =	ssyncadd.s32 $0xFFFFFFFF  }
0xb6: {  	_ =	strace $0x90000048  }
0xb7: {  	_ =	sfence  }
0xb8: {  	s30 =	sld [smem:$0x0];
	_ =	sdelay $0x2  }
0xb9: {  	s31 =	sshll.u32 s1, $0xD;
	s1 =	sshrl.u32 s1, $0x2  }
0xba: {  	s3 =	sand.u32 $0x4000, s31;
	s1 =	sadd.s32 s1, s30  }
0xbb: {  	s0 =	sor.u32 s3, s0;
	s1 =	sshll.u32 s1, $0x11  }
0xbc: {  	s0 =	sor.u32 s1, s0  }
0xbd: {  	s0 =	sadd.s32 $0x8F2B, s0  }
0xbe: {  	[sflag:s0] =	ssyncadd.remote.s32 $0x1  }
0xbf: {  	_ =	sfence.sel $0xFFFF  }
0xc0: {  	[dreg:$0x0] =	wrdreg $0xFFFFFFFF;
	(pc) =	sbr.abs _section_cstart, $3  }
0xc1: {  	[dreg:$0x1] =	wrdreg $0xFFFFFFFF  }
0xc2: {  	_ =	task.clear_ibuf [dreg:s6], $0x2FFFF;
	_ =	strace $0x9FFFFFFF  }
0xc3: {  	(tm) =	ssettm $0x7FFFFFFF  }
tec
execute0_lowered:
.L_overlay_start_1:
0x0: {  	(tag) =	ssettag $0x1  }
0x1: {  	s8 =	rddreg [dreg:$0x0]  }
0x2: {  	s2 =	rddreg [dreg:$0x1]  }
0x3: {  	s3 =	rddreg [dreg:$0x2]  }
0x4: {  	s0 =	rddreg [dreg:$0x3]  }
0x5: {  	s1 =	stileid.u32;
	s5 =	srdreg.scid;
	s4 =	simm.s32 $0x0  }
0x6: {  	s16 =	simm.s32 $0x800;
	s17 =	simm.s32 $0x7D;
	s18 =	simm.s32 $0x1000  }
0x7: {  	s19 =	simm.s32 $0x80;
	s20 =	simm.s32 $0x3710;
	s21 =	simm.s32 $0x1  }
0x8: {  	s22 =	simm.s32 $0x2;
	s23 =	simm.s32 $0xF80;
	s24 =	simm.s32 $0x0  }
0x9: {  	s9 =	smul.u32 $0x19000, s1;
	s10 =	sand.u32 $0x1, s5;
	[smem:$0x7FF] =	sst s4  }
0xa: {  	s5 =	sadd.s32 $0xBC00, s8;
	s31 =	sshll.u32 s1, $0x6;
	s6 =	smul.u32 $0x190000, s10  }
0xb: {  	_ =	strace $0x80000047;
	s13 =	ssub.s32 $0x2, s10;
	s30 =	sshll.u32 s10, $0x4  }
0xc: {  	s28 =	sshrl.u32 s9, $0x4;
	s29 =	sshrl.u32 s13, $0x1;
	s10 =	sor.u32 s1, s30  }
0xd: {  	s11 =	sadd.s32 s28, s8;
	s7 =	sadd.s32 s9, s6;
	s6 =	sadd.s32 $0x1C00, s8  }
0xe: {  	s13 =	ssub.s32 s13, s29;
	s9 =	sshrl.u32 s9, $0x1;
	s10 =	smul.u32 $0x2800, s10  }
0xf: {  	s12 =	sshrl.u32 s7, $0x4;
	s7 =	sadd.s32 $0x2EC00, s8;
	s14 =	sadd.s32 s9, s2  }
0x10: {  	s15 =	sadd.s32 s9, s3;
	s9 =	sadd.s32 $0x15C00, s11;
	s12 =	sadd.s32 s12, s8  }
0x11: {  	s8 =	sor.u32 $0x1C03, s31;
	s15 =	sshrl.u32 s15, $0x3;
	s11 =	sadd.s32 $0x30600, s12  }
0x12: {  	s12 =	smax.u32 s13, $0x1;
	s13 =	sshrl.u32 s14, $0x3;
	s14 =	simm.s32 $0x3  }
.LBB2_1:
0x13: {  	[spmem:s13], [sflag:s8] =	dma.local [hbm:s7], $0x1900  }
0x14: {  	_ =	swait.ge [sflag:s14], $0x1900  }
0x15: {  	[sflag:s14] =	ssyncset.done $0x0  }
0x16: {  	[sflag:s14] =	ssyncadd.s32 $0xFFFFE700  }
0x17: {  	[spmem:s15], [sflag:s8] =	dma.local [hbm:s9], $0x1900  }
0x18: {  	_ =	swait.ge [sflag:s14], $0x1900  }
0x19: {  	[sflag:s14] =	ssyncset.done $0x0  }
0x1a: {  	[sflag:s14] =	ssyncadd.s32 $0xFFFFE700  }
0x1b: {  	s25 =	simm.s32 $0x0;
	[bflag:$0x0] =	sbarrier.arrive $0xFFFF  }
.LBB2_2:
0x1c: {  	s26 =	sshll.u32 s25, $0xB  }
0x1d: {  	s26 =	sadd.s32 s10, s26  }
0x1e: {  	s26 =	sshrl.u32 s26, $0x3  }
0x1f: {  	s28 =	sadd.s32 s5, s26  }
0x20: {  	[tilespmem:s4], [sflag:$0x3] =	stream.linear.gather [hbm4b:s28+s4], $0x800, $0x38;
	[tilespmem:$0x1EE20] =	vst v63  }
0x21: {  	_ =	swait.ge [sflag:s14], $0x800  }
0x22: {  	[sflag:s14] =	ssyncset.done $0x0  }
0x23: {  	s26 =	sadd.s32 s6, s26;
	[sflag:s14] =	ssyncadd.s32 $0xFFFFF800  }
0x24: {  	[tilespmem:s16], [sflag:$0x3] =	stream.linear.gather [hbm4b:s26+s4], $0x800, $0x38;
	[tilespmem:$0x1EE20] =	vst v63  }
0x25: {  	_ =	swait.ge [sflag:s14], $0x800  }
0x26: {  	[sflag:s14] =	ssyncset.done $0x0  }
0x27: {  	s31 =	simm.s32 $0x1;
	[sflag:s14] =	ssyncadd.s32 $0xFFFFF800  }
0x28: {  	[tilespmem:s18], [sflag:$0x1] =	stream.indirect.gather [spmem:s3], $0x50, s4, s17, $0xb8;
	[tilespmem:$0x1EE20] =	vst v63  }
0x29: {  	_ =	swait.ge [sflag:s31], $0x2710  }
0x2a: {  	[sflag:s31] =	ssyncset.done $0x0  }
0x2b: {  	[sflag:s31] =	ssyncadd.s32 $0xFFFFD8F0  }
0x2c: {  	[spmem:s2] =	stream.indirect.scatter.add.bf16 [tilespmem:s18], [sflag:$0x2], $0x50, s16, s17, $0xb8;
	[tilespmem:$0x1EE20] =	vst v63  }
0x2d: {  	_ = 	snop  }
0x2e: {  	[tilespmem:s20], [sflag:$0x1] =	stream.indirect.gather [spmem:s3], $0x50, s19, s17, $0xb8;
	[tilespmem:$0x1EE20] =	vst v63  }
0x2f: {  	_ =	swait.ge [sflag:s21], $0x2710  }
0x30: {  	s26 =	sand.u32 $0x1, s31;
	[sflag:s21] =	ssyncset.done $0x0  }
0x31: {  	s28 =	sxor.u32 $0x1, s26;
	s29 =	smul.u32 $0x9C40, s26;
	[sflag:s21] =	ssyncadd.s32 $0xFFFFD8F0  }
0x32: {  	s28 =	smul.u32 $0x9C40, s28;
	_ =	swait.ge [sflag:s22], $0x2710  }
0x33: {  	s26 =	simm.s32 $0x880;
	s29 =	sshrl.u32 s29, $0x2;
	[sflag:s22] =	ssyncset.done $0x0  }
0x34: {  	s29 =	sadd.s32 $0x1000, s29;
	s30 =	sshrl.u32 s28, $0x2;
	[sflag:s22] =	ssyncadd.s32 $0xFFFFD8F0  }
0x35: {  	[spmem:s2] =	stream.indirect.scatter.add.bf16 [tilespmem:s29], [sflag:$0x2], $0x50, s26, s17, $0xb8;
	[tilespmem:$0x1EE20] =	vst v63  }
0x36: {  	s28 =	simm.s32 $0x100;
	s29 =	sadd.s32 $0x1000, s30  }
0x37: {  	[tilespmem:s29], [sflag:$0x1] =	stream.indirect.gather [spmem:s3], $0x50, s28, s17, $0xb8;
	[tilespmem:$0x1EE20] =	vst v63  }
0x38: {  	s29 =	simm.s32 $0x2  }
.LBB2_3:
0x39: {  	_ =	swait.ge [sflag:s21], $0x2710;
	s28 =	sadd.s32 $0x80, s28;
	s26 =	sadd.s32 $0x80, s26  }
0x3a: {  	s30 =	sand.u32 $0x1, s29;
	p0 =	sne.s32 s29, $0xE;
	[sflag:s21] =	ssyncset.done $0x0  }
0x3b: {  	s31 =	sxor.u32 $0x1, s30;
	s30 =	smul.u32 $0x9C40, s30;
	[sflag:s21] =	ssyncadd.s32 $0xFFFFD8F0  }
0x3c: {  	s29 =	sadd.s32 $0x1, s29;
	s31 =	smul.u32 $0x9C40, s31;
	_ =	swait.ge [sflag:s22], $0x2710  }
.Ltmp0:
0x3d: {  	s30 =	sshrl.u32 s30, $0x2;
	[sflag:s22] =	ssyncset.done $0x0;
	(pc) =	sbr.rel @p0 .LBB2_3-.Ltmp0, $4  }
0x3e: {  	s30 =	sadd.s32 $0x1000, s30;
	s31 =	sshrl.u32 s31, $0x2;
	[sflag:s22] =	ssyncadd.s32 $0xFFFFD8F0  }
0x3f: {  	[spmem:s2] =	stream.indirect.scatter.add.bf16 [tilespmem:s30], [sflag:$0x2], $0x50, s26, s17, $0xb8;
	[tilespmem:$0x1EE20] =	vst v63  }
0x40: {  	s30 =	sadd.s32 $0x1000, s31  }
0x41: {  	[tilespmem:s30], [sflag:$0x1] =	stream.indirect.gather [spmem:s3], $0x50, s28, s17, $0xb8;
	[tilespmem:$0x1EE20] =	vst v63  }
0x42: {  	_ =	swait.ge [sflag:s21], $0x2710  }
0x43: {  	[sflag:s21] =	ssyncset.done $0x0  }
0x44: {  	[sflag:s21] =	ssyncadd.s32 $0xFFFFD8F0  }
0x45: {  	s25 =	sadd.s32 $0x1, s25;
	_ =	swait.ge [sflag:s22], $0x2710  }
0x46: {  	p0 =	sne.s32 s25, $0x5;
	[sflag:s22] =	ssyncset.done $0x0  }
.Ltmp1:
0x47: {  	[sflag:s22] =	ssyncadd.s32 $0xFFFFD8F0;
	(pc) =	sbr.rel @p0 .LBB2_2-.Ltmp1, $4  }
0x48: {  	[spmem:s2] =	stream.indirect.scatter.add.bf16 [tilespmem:s20], [sflag:$0x2], $0x50, s23, s17, $0xb8;
	[tilespmem:$0x1EE20] =	vst v63  }
0x49: {  	_ =	swait.ge [sflag:s22], $0x2710  }
0x4a: {  	[sflag:s22] =	ssyncset.done $0x0  }
0x4b: {  	[sflag:s22] =	ssyncadd.s32 $0xFFFFD8F0  }
0x4c: {  	s24 =	sadd.s32 $0x1, s24  }
0x4d: {  	p0 =	sne.s32 s24, s12  }
.Ltmp2:
0x4e: {  	[bflag:$0x0] =	sbarrier.arrive $0xFFFF;
	(pc) =	sbr.rel @p0 .LBB2_1-.Ltmp2, $4  }
0x4f: {  	[hbm:s11], [sflag:s8] =	dma.local [spmem:s13], $0x1900  }
0x50: {  	_ =	swait.ge [sflag:s14], $0x1900  }
0x51: {  	[sflag:s14] =	ssyncset.done $0x0  }
0x52: {  	[sflag:s14] =	ssyncadd.s32 $0xFFFFE700  }
0x53: {  	_ =	sfence.sel $0x180000  }
0x54: {  	[bflag:$0x0] =	sbarrier.arrive $0xFFFF  }
0x55: {  	p0 =	sne.s32 s1, $0x0;
	_ =	strace $0x90000047  }
0x56: {  	s0 =	sadd.s32 @!p0 $0x100000, s0;
	[bflag:$0x2] =	sbarrier.arrive $0xFFFF  }
0x57: {  	[sflag:s0] =	ssyncadd.tile.s32 @!p0 $0x1;
	_ =	shalt  }
.Lfunc_end2:
_tile_overlayer_lowered:
.L_overlay_start_2:
0x58: {  	(tag) =	ssettag $0x2  }
0x59: {  	s0 =	rddreg [dreg:$0x0];
	s2 =	stileid.u32  }
0x5a: {  	s1 =	rddreg [dreg:$0x1];
	p0 =	sne.s32 s2, $0x0  }
0x5b: {  	s3 =	rddreg [dreg:$0x2];
	[bflag:$0x3] =	sbarrier.arrive $0xFFFF;
	s2 =	simm.s32 @!p0 $0x1C03  }
0x5c: {  	[timem:s3], [sflag:s2] =	dma.local @!p0 [hbm:s0], s1  }
0x5d: {  	s0 =	simm.s32 @!p0 $0x3  }
0x5e: {  	_ =	swait.ge @!p0 [sflag:s0], s1  }
0x5f: {  	s1 =	ssub.s32 @!p0 $0x0, s1;
	[sflag:s0] =	ssyncset.done @!p0 $0x0  }
0x60: {  	[sflag:s0] =	ssyncadd.s32 @!p0 s1  }
0x61: {  	[bflag:$0x3] =	sbarrier.arrive $0xFFFF  }
0x62: {  	_ =	shalt  }

</sc_bundles>
